<compile_context>
chip_gen: v7x
topology: tpu7x:2x2x1
jax: 0.10.2.dev20260603
libtpu: 0.0.44.dev20260713+nightly
codegen_flags: <defaults>
</compile_context>

<pallas_src>
import functools

import jax
import jax.numpy as jnp
from jax import lax
from jax.experimental import pallas as pl
from jax.experimental.pallas import tpu as pltpu
from jax.experimental.pallas import tpu_sc as plsc

NC = 2
NS = 16
LANES = 128
NB = 2048


def _build_tmap_call(n_pad, n_idx_pad):
    ch_i = n_idx_pad // NS
    ch_o = n_pad // NS
    half = n_pad // NC
    ch_w = half // NS

    mesh = plsc.VectorSubcoreMesh(core_axis_name="c", subcore_axis_name="s")

    @functools.partial(
        pl.kernel,
        out_type=jax.ShapeDtypeStruct((n_pad,), jnp.int32),
        mesh=mesh,
        scratch_types=[
            pltpu.VMEM((ch_i,), jnp.int32),
            pltpu.VMEM((ch_i,), jnp.int32),
            pltpu.VMEM((ch_o,), jnp.int32),
            pltpu.VMEM_SHARED((n_pad,), jnp.int32),
        ],
    )
    def build_tmap(idx_hbm, val_hbm, threes_hbm, out_hbm,
                   idx_v, val_v, stage_v, tmap_sh):
        cid = lax.axis_index("c")
        sid = lax.axis_index("s")
        pltpu.sync_copy(threes_hbm, stage_v)
        pltpu.sync_copy(stage_v, tmap_sh.at[pl.ds(sid * ch_o, ch_o)])
        plsc.subcore_barrier()
        pltpu.sync_copy(idx_hbm.at[pl.ds(sid * ch_i, ch_i)], idx_v)
        pltpu.sync_copy(val_hbm.at[pl.ds(sid * ch_i, ch_i)], val_v)
        pltpu.sync_copy(val_v, tmap_sh.at[idx_v])
        plsc.subcore_barrier()
        off = cid * half + sid * ch_w
        pltpu.sync_copy(tmap_sh.at[pl.ds(off, ch_w)],
                        stage_v.at[pl.ds(0, ch_w)])
        pltpu.sync_copy(stage_v.at[pl.ds(0, ch_w)],
                        out_hbm.at[pl.ds(off, ch_w)])

    return build_tmap


def _tc_body(t_ref, x_ref, w0_ref, w1_ref, w2_ref, b_ref, o_ref, w_s):
    d = o_ref.shape[-1]
    nb = o_ref.shape[0]
    k = x_ref.shape[-1]

    @pl.when(pl.program_id(0) == 0)
    def _():
        w_s[...] = jnp.zeros_like(w_s)
        w_s[0:w0_ref.shape[0], 0:d] = w0_ref[...].astype(jnp.bfloat16)
        w_s[0:w1_ref.shape[0], d:2 * d] = w1_ref[...].astype(jnp.bfloat16)
        w_s[0:k, 2 * d:3 * d] = w2_ref[...].astype(jnp.bfloat16)

    x = x_ref[...].astype(jnp.bfloat16)
    y = jnp.dot(x, w_s[...], preferred_element_type=jnp.float32)
    y = y + b_ref[...]
    tt = jnp.transpose(t_ref[...])
    for j in range(nb // LANES):
        tj = lax.slice(tt, (0, j), (LANES, j + 1))
        yj = y[j * LANES:(j + 1) * LANES, :]
        o_ref[j * LANES:(j + 1) * LANES, :] = jnp.where(
            tj == 0, yj[:, :d],
            jnp.where(tj == 1, yj[:, d:2 * d],
                      jnp.where(tj == 2, yj[:, 2 * d:3 * d], 0.0)))


def kernel(x, W0, b0, W1, b1, W2, b2, idx0, idx1, idx2):
    n, k = x.shape
    d = W0.shape[1]
    n_pad = -(-n // NB) * NB

    bcat = jnp.concatenate([b0, b1, b2]).reshape(1, 3 * d)

    idx_all = jnp.concatenate(
        [idx0.astype(jnp.int32), idx1.astype(jnp.int32),
         idx2.astype(jnp.int32)])
    n_idx = idx_all.shape[0]
    n_idx_pad = -(-n_idx // (NS * 8)) * (NS * 8)
    pad = n_idx_pad - n_idx
    if pad:
        idx_all = jnp.concatenate(
            [idx_all, jnp.broadcast_to(idx_all[-1:], (pad,))])
    per = idx0.shape[0]
    codes = jnp.minimum(jnp.arange(n_idx_pad, dtype=jnp.int32) // per, 2)
    threes = jnp.full((n_pad // NS,), 3, jnp.int32)

    tmap = _build_tmap_call(n_pad, n_idx_pad)(idx_all, codes, threes)
    tmap2 = tmap.reshape(n_pad // LANES, LANES)

    grid = (n_pad // NB,)
    out = pl.pallas_call(
        _tc_body,
        grid=grid,
        in_specs=[
            pl.BlockSpec((NB // LANES, LANES), lambda i: (i, 0)),
            pl.BlockSpec((NB, k), lambda i: (i, 0)),
            pl.BlockSpec(W0.shape, lambda i: (0, 0)),
            pl.BlockSpec(W1.shape, lambda i: (0, 0)),
            pl.BlockSpec(W2.shape, lambda i: (0, 0)),
            pl.BlockSpec((1, 3 * d), lambda i: (0, 0)),
        ],
        out_specs=pl.BlockSpec((NB, d), lambda i: (i, 0)),
        out_shape=jax.ShapeDtypeStruct((n, d), x.dtype),
        scratch_shapes=[pltpu.VMEM((k, 3 * d), jnp.bfloat16)],
        compiler_params=pltpu.CompilerParams(
            dimension_semantics=("arbitrary",)),
    )(tmap2, x, W0, W1, W2, bcat)
    return out

# --- scband reference (transcript-rebuilt; emitter-appended) ---
"""Pipeline reference for scband-node-encoder-32512902430851 (READ-ONLY COPY).

The authoritative reference and input builder live on the scoring server;
editing this copy changes nothing except your own understanding.
"""

import jax, jax.numpy as jnp
import numpy as np

N = 100000
D = 128
DIMS = [64, 128, 256]
PER = 33000

def setup_inputs(seed: int = 0) -> dict:
    key = jax.random.key(seed)
    ks = jax.random.split(key, 8)
    x = jax.random.normal(ks[0], (N, 256), dtype=jnp.float32)
    # disjoint, unique node index sets per node type (mirrors the per-type
    # partition of nodes in the batched graph)
    perm = jax.random.permutation(ks[1], N)
    idx0 = perm[0:PER]
    idx1 = perm[PER:2 * PER]
    idx2 = perm[2 * PER:3 * PER]
    W0 = jax.random.normal(ks[2], (DIMS[0], D), dtype=jnp.float32) * 0.05
    b0 = jnp.zeros((D,), dtype=jnp.float32)
    W1 = jax.random.normal(ks[3], (DIMS[1], D), dtype=jnp.float32) * 0.05
    b1 = jnp.zeros((D,), dtype=jnp.float32)
    W2 = jax.random.normal(ks[4], (DIMS[2], D), dtype=jnp.float32) * 0.05
    b2 = jnp.zeros((D,), dtype=jnp.float32)
    return {"x": x, "W0": W0, "b0": b0, "W1": W1, "b1": b1,
            "W2": W2, "b2": b2, "idx0": idx0, "idx1": idx1, "idx2": idx2}

def reference(x, W0, b0, W1, b1, W2, b2, idx0, idx1, idx2):
    # node_feature = zeros(num_nodes, node_feature_dim)
    nf = jnp.zeros((x.shape[0], W0.shape[1]), dtype=x.dtype)
    # per node type: gather rows, slice to that type's raw dim, linear
    # (Dropout is identity at inference), scatter-overwrite into buffer
    y0 = x[idx0, :DIMS[0]] @ W0 + b0
    nf = nf.at[idx0].set(y0)
    y1 = x[idx1, :DIMS[1]] @ W1 + b1
    nf = nf.at[idx1].set(y1)
    y2 = x[idx2, :DIMS[2]] @ W2 + b2
    nf = nf.at[idx2].set(y2)
    return nf

if __name__ == "__main__":
    import jax
    _d = setup_inputs()
    print(jax.jit(kernel)(*tuple(_d.values())))

</pallas_src>

<mosaic_0001>
#map = affine_map<(d0, d1) -> (0)>
module attributes {stable_mosaic.version = 14 : i64} {
  func.func @build_tmap(%arg0: i32, %arg1: i32, %arg2: memref<99072xi32, #tpu.memory_space<hbm>>, %arg3: memref<99072xi32, #tpu.memory_space<hbm>>, %arg4: memref<6272xi32, #tpu.memory_space<hbm>>, %arg5: memref<100352xi32, #tpu.memory_space<hbm>>, %arg6: memref<6192xi32, #tpu.memory_space<vmem>>, %arg7: memref<6192xi32, #tpu.memory_space<vmem>>, %arg8: memref<6272xi32, #tpu.memory_space<vmem>>, %arg9: memref<100352xi32, #tpu.memory_space<vmem_shared>>) attributes {dimension_semantics = [#tpu.dimension_semantics<core_parallel>, #tpu.dimension_semantics<subcore_parallel>], iteration_bounds = array<i64: 2, 16>, scalar_prefetch = 0 : i64, scratch_operands = 4 : i64, tpu.core_type = #tpu.core_type<sc_vector_subcore>, window_params = [{transform_indices = #map}, {transform_indices = #map}, {transform_indices = #map}, {transform_indices = #map}]} {
    "tpu.region"() ({
      %run_scoped3A = tpu.sem_alloc : memref<!tpu.dma_semaphore, #tpu.memory_space<semaphore_mem>>
      tpu.enqueue_dma source(%arg4 : memref<6272xi32, #tpu.memory_space<hbm>>) target(%arg8 : memref<6272xi32, #tpu.memory_space<vmem>>) target_semaphore(%run_scoped3A : memref<!tpu.dma_semaphore, #tpu.memory_space<semaphore_mem>>)
      tpu.wait_dma2 semaphore(%run_scoped3A : memref<!tpu.dma_semaphore, #tpu.memory_space<semaphore_mem>>) src(%arg4 : memref<6272xi32, #tpu.memory_space<hbm>>) dst(%arg8 : memref<6272xi32, #tpu.memory_space<vmem>>)
      tpu.yield
    }) : () -> ()
    %mul3A = arith.constant 6272 : i32
    %mul3A_0 = arith.muli %arg1, %mul3A : i32
    "tpu.region"() ({
      %run_scoped3A = tpu.sem_alloc : memref<!tpu.dma_semaphore, #tpu.memory_space<semaphore_mem>>
      %dma_start3A = tpu.memref_slice %arg9[%mul3A_0] : memref<100352xi32, #tpu.memory_space<vmem_shared>> -> memref<6272xi32, #tpu.memory_space<vmem_shared>>
      %dma_start3A_10 = tpu.memref_slice %arg9[%mul3A_0] : memref<100352xi32, #tpu.memory_space<vmem_shared>> -> memref<6272xi32, #tpu.memory_space<vmem_shared>>
      tpu.enqueue_dma source(%arg8 : memref<6272xi32, #tpu.memory_space<vmem>>) target(%dma_start3A_10 : memref<6272xi32, #tpu.memory_space<vmem_shared>>) target_semaphore(%run_scoped3A : memref<!tpu.dma_semaphore, #tpu.memory_space<semaphore_mem>>)
      %dma_wait3A = tpu.memref_slice %arg9[%mul3A_0] : memref<100352xi32, #tpu.memory_space<vmem_shared>> -> memref<6272xi32, #tpu.memory_space<vmem_shared>>
      %dma_wait3A_11 = tpu.memref_slice %arg9[%mul3A_0] : memref<100352xi32, #tpu.memory_space<vmem_shared>> -> memref<6272xi32, #tpu.memory_space<vmem_shared>>
      tpu.wait_dma2 semaphore(%run_scoped3A : memref<!tpu.dma_semaphore, #tpu.memory_space<semaphore_mem>>) src(%arg8 : memref<6272xi32, #tpu.memory_space<vmem>>) dst(%dma_wait3A_11 : memref<6272xi32, #tpu.memory_space<vmem_shared>>)
      tpu.yield
    }) : () -> ()
    %barrier3A = arith.constant 0 : index
    tpu.barrier barrier_id(%barrier3A)
    %mul3A_1 = arith.constant 6192 : i32
    %mul3A_2 = arith.muli %arg1, %mul3A_1 : i32
    "tpu.region"() ({
      %run_scoped3A = tpu.sem_alloc : memref<!tpu.dma_semaphore, #tpu.memory_space<semaphore_mem>>
      %dma_start3A = tpu.memref_slice %arg2[%mul3A_2] : memref<99072xi32, #tpu.memory_space<hbm>> -> memref<6192xi32, #tpu.memory_space<hbm>>
      %dma_start3A_10 = tpu.memref_slice %arg2[%mul3A_2] : memref<99072xi32, #tpu.memory_space<hbm>> -> memref<6192xi32, #tpu.memory_space<hbm>>
      tpu.enqueue_dma source(%dma_start3A_10 : memref<6192xi32, #tpu.memory_space<hbm>>) target(%arg6 : memref<6192xi32, #tpu.memory_space<vmem>>) target_semaphore(%run_scoped3A : memref<!tpu.dma_semaphore, #tpu.memory_space<semaphore_mem>>)
      %dma_wait3A = tpu.memref_slice %arg2[%mul3A_2] : memref<99072xi32, #tpu.memory_space<hbm>> -> memref<6192xi32, #tpu.memory_space<hbm>>
      %dma_wait3A_11 = tpu.memref_slice %arg2[%mul3A_2] : memref<99072xi32, #tpu.memory_space<hbm>> -> memref<6192xi32, #tpu.memory_space<hbm>>
      tpu.wait_dma2 semaphore(%run_scoped3A : memref<!tpu.dma_semaphore, #tpu.memory_space<semaphore_mem>>) src(%dma_wait3A_11 : memref<6192xi32, #tpu.memory_space<hbm>>) dst(%arg6 : memref<6192xi32, #tpu.memory_space<vmem>>)
      tpu.yield
    }) : () -> ()
    %mul3A_3 = arith.constant 6192 : i32
    %mul3A_4 = arith.muli %arg1, %mul3A_3 : i32
    "tpu.region"() ({
      %run_scoped3A = tpu.sem_alloc : memref<!tpu.dma_semaphore, #tpu.memory_space<semaphore_mem>>
      %dma_start3A = tpu.memref_slice %arg3[%mul3A_4] : memref<99072xi32, #tpu.memory_space<hbm>> -> memref<6192xi32, #tpu.memory_space<hbm>>
      %dma_start3A_10 = tpu.memref_slice %arg3[%mul3A_4] : memref<99072xi32, #tpu.memory_space<hbm>> -> memref<6192xi32, #tpu.memory_space<hbm>>
      tpu.enqueue_dma source(%dma_start3A_10 : memref<6192xi32, #tpu.memory_space<hbm>>) target(%arg7 : memref<6192xi32, #tpu.memory_space<vmem>>) target_semaphore(%run_scoped3A : memref<!tpu.dma_semaphore, #tpu.memory_space<semaphore_mem>>)
      %dma_wait3A = tpu.memref_slice %arg3[%mul3A_4] : memref<99072xi32, #tpu.memory_space<hbm>> -> memref<6192xi32, #tpu.memory_space<hbm>>
      %dma_wait3A_11 = tpu.memref_slice %arg3[%mul3A_4] : memref<99072xi32, #tpu.memory_space<hbm>> -> memref<6192xi32, #tpu.memory_space<hbm>>
      tpu.wait_dma2 semaphore(%run_scoped3A : memref<!tpu.dma_semaphore, #tpu.memory_space<semaphore_mem>>) src(%dma_wait3A_11 : memref<6192xi32, #tpu.memory_space<hbm>>) dst(%arg7 : memref<6192xi32, #tpu.memory_space<vmem>>)
      tpu.yield
    }) : () -> ()
    "tpu.region"() ({
      %run_scoped3A = tpu.sem_alloc : memref<!tpu.dma_semaphore, #tpu.memory_space<semaphore_mem>>
      %dma_start3A = arith.constant 0 : i32
      %dma_start3A_10 = tpu.memref_slice %arg9[%dma_start3A] : memref<100352xi32, #tpu.memory_space<vmem_shared>> -> memref<100352xi32, #tpu.memory_space<vmem_shared>>
      tpu.enqueue_indirect_dma source(%arg7 : memref<6192xi32, #tpu.memory_space<vmem>>) target(%dma_start3A_10 : memref<100352xi32, #tpu.memory_space<vmem_shared>>) offsets(%arg6 : memref<6192xi32, #tpu.memory_space<vmem>>) semaphore(%run_scoped3A : memref<!tpu.dma_semaphore, #tpu.memory_space<semaphore_mem>>)
      %dma_wait3A = arith.constant 0 : i32
      %dma_wait3A_11 = tpu.memref_slice %arg9[%dma_wait3A] : memref<100352xi32, #tpu.memory_space<vmem_shared>> -> memref<100352xi32, #tpu.memory_space<vmem_shared>>
      tpu.wait_indirect_dma semaphore(%run_scoped3A : memref<!tpu.dma_semaphore, #tpu.memory_space<semaphore_mem>>) src(%arg7 : memref<6192xi32, #tpu.memory_space<vmem>>) dst(%dma_wait3A_11 : memref<100352xi32, #tpu.memory_space<vmem_shared>>)
      tpu.yield
    }) : () -> ()
    %barrier3A_5 = arith.constant 0 : index
    tpu.barrier barrier_id(%barrier3A_5)
    %mul3A_6 = arith.constant 50176 : i32
    %mul3A_7 = arith.muli %arg0, %mul3A_6 : i32
    %mul3A_8 = arith.constant 3136 : i32
    %mul3A_9 = arith.muli %arg1, %mul3A_8 : i32
    %add3A = arith.addi %mul3A_7, %mul3A_9 : i32
    "tpu.region"() ({
      %run_scoped3A = tpu.sem_alloc : memref<!tpu.dma_semaphore, #tpu.memory_space<semaphore_mem>>
      %dma_start3A = arith.constant 0 : i32
      %dma_start3A_10 = tpu.memref_slice %arg8[%dma_start3A] : memref<6272xi32, #tpu.memory_space<vmem>> -> memref<3136xi32, #tpu.memory_space<vmem>>
      %dma_start3A_11 = tpu.memref_slice %arg9[%add3A] : memref<100352xi32, #tpu.memory_space<vmem_shared>> -> memref<3136xi32, #tpu.memory_space<vmem_shared>>
      %dma_start3A_12 = arith.constant 0 : i32
      %dma_start3A_13 = tpu.memref_slice %arg8[%dma_start3A_12] : memref<6272xi32, #tpu.memory_space<vmem>> -> memref<3136xi32, #tpu.memory_space<vmem>>
      %dma_start3A_14 = tpu.memref_slice %arg9[%add3A] : memref<100352xi32, #tpu.memory_space<vmem_shared>> -> memref<3136xi32, #tpu.memory_space<vmem_shared>>
      tpu.enqueue_dma source(%dma_start3A_14 : memref<3136xi32, #tpu.memory_space<vmem_shared>>) target(%dma_start3A_13 : memref<3136xi32, #tpu.memory_space<vmem>>) target_semaphore(%run_scoped3A : memref<!tpu.dma_semaphore, #tpu.memory_space<semaphore_mem>>)
      %dma_wait3A = arith.constant 0 : i32
      %dma_wait3A_15 = tpu.memref_slice %arg8[%dma_wait3A] : memref<6272xi32, #tpu.memory_space<vmem>> -> memref<3136xi32, #tpu.memory_space<vmem>>
      %dma_wait3A_16 = tpu.memref_slice %arg9[%add3A] : memref<100352xi32, #tpu.memory_space<vmem_shared>> -> memref<3136xi32, #tpu.memory_space<vmem_shared>>
      %dma_wait3A_17 = arith.constant 0 : i32
      %dma_wait3A_18 = tpu.memref_slice %arg8[%dma_wait3A_17] : memref<6272xi32, #tpu.memory_space<vmem>> -> memref<3136xi32, #tpu.memory_space<vmem>>
      %dma_wait3A_19 = tpu.memref_slice %arg9[%add3A] : memref<100352xi32, #tpu.memory_space<vmem_shared>> -> memref<3136xi32, #tpu.memory_space<vmem_shared>>
      tpu.wait_dma2 semaphore(%run_scoped3A : memref<!tpu.dma_semaphore, #tpu.memory_space<semaphore_mem>>) src(%dma_wait3A_19 : memref<3136xi32, #tpu.memory_space<vmem_shared>>) dst(%dma_wait3A_18 : memref<3136xi32, #tpu.memory_space<vmem>>)
      tpu.yield
    }) : () -> ()
    "tpu.region"() ({
      %run_scoped3A = tpu.sem_alloc : memref<!tpu.dma_semaphore, #tpu.memory_space<semaphore_mem>>
      %dma_start3A = arith.constant 0 : i32
      %dma_start3A_10 = tpu.memref_slice %arg8[%dma_start3A] : memref<6272xi32, #tpu.memory_space<vmem>> -> memref<3136xi32, #tpu.memory_space<vmem>>
      %dma_start3A_11 = tpu.memref_slice %arg5[%add3A] : memref<100352xi32, #tpu.memory_space<hbm>> -> memref<3136xi32, #tpu.memory_space<hbm>>
      %dma_start3A_12 = tpu.memref_slice %arg5[%add3A] : memref<100352xi32, #tpu.memory_space<hbm>> -> memref<3136xi32, #tpu.memory_space<hbm>>
      %dma_start3A_13 = arith.constant 0 : i32
      %dma_start3A_14 = tpu.memref_slice %arg8[%dma_start3A_13] : memref<6272xi32, #tpu.memory_space<vmem>> -> memref<3136xi32, #tpu.memory_space<vmem>>
      tpu.enqueue_dma source(%dma_start3A_14 : memref<3136xi32, #tpu.memory_space<vmem>>) target(%dma_start3A_12 : memref<3136xi32, #tpu.memory_space<hbm>>) target_semaphore(%run_scoped3A : memref<!tpu.dma_semaphore, #tpu.memory_space<semaphore_mem>>)
      %dma_wait3A = arith.constant 0 : i32
      %dma_wait3A_15 = tpu.memref_slice %arg8[%dma_wait3A] : memref<6272xi32, #tpu.memory_space<vmem>> -> memref<3136xi32, #tpu.memory_space<vmem>>
      %dma_wait3A_16 = tpu.memref_slice %arg5[%add3A] : memref<100352xi32, #tpu.memory_space<hbm>> -> memref<3136xi32, #tpu.memory_space<hbm>>
      %dma_wait3A_17 = tpu.memref_slice %arg5[%add3A] : memref<100352xi32, #tpu.memory_space<hbm>> -> memref<3136xi32, #tpu.memory_space<hbm>>
      %dma_wait3A_18 = arith.constant 0 : i32
      %dma_wait3A_19 = tpu.memref_slice %arg8[%dma_wait3A_18] : memref<6272xi32, #tpu.memory_space<vmem>> -> memref<3136xi32, #tpu.memory_space<vmem>>
      tpu.wait_dma2 semaphore(%run_scoped3A : memref<!tpu.dma_semaphore, #tpu.memory_space<semaphore_mem>>) src(%dma_wait3A_19 : memref<3136xi32, #tpu.memory_space<vmem>>) dst(%dma_wait3A_17 : memref<3136xi32, #tpu.memory_space<hbm>>)
      tpu.yield
    }) : () -> ()
    return
  }
}

module attributes {stable_mosaic.version = 14 : i64} {
  func.func @_tc_body(%arg0: i32, %arg1: memref<16x128xi32, #tpu.memory_space<vmem>>, %arg2: memref<2048x256xf32, #tpu.memory_space<vmem>>, %arg3: memref<64x128xf32, #tpu.memory_space<vmem>>, %arg4: memref<128x128xf32, #tpu.memory_space<vmem>>, %arg5: memref<256x128xf32, #tpu.memory_space<vmem>>, %arg6: memref<1x384xf32, #tpu.memory_space<vmem>>, %arg7: memref<2048x128xf32, #tpu.memory_space<vmem>>, %arg8: memref<256x384xbf16, #tpu.memory_space<vmem>>) attributes {dimension_semantics = [#tpu.dimension_semantics<arbitrary>], iteration_bounds = array<i64: 49>, scalar_prefetch = 0 : i64, scratch_operands = 1 : i64, tpu.core_type = #tpu.core_type<tc>, window_params = [{transform_indices = @transform_0, window_bounds = array<i64: 16, 128>}, {transform_indices = @transform_1, window_bounds = array<i64: 2048, 256>}, {pipeline_mode = #tpu.pipeline_mode<synchronous>, transform_indices = @transform_2, window_bounds = array<i64: 64, 128>}, {pipeline_mode = #tpu.pipeline_mode<synchronous>, transform_indices = @transform_3, window_bounds = array<i64: 128, 128>}, {pipeline_mode = #tpu.pipeline_mode<synchronous>, transform_indices = @transform_4, window_bounds = array<i64: 256, 128>}, {pipeline_mode = #tpu.pipeline_mode<synchronous>, transform_indices = @transform_5, window_bounds = array<i64: 1, 384>}, {transform_indices = @transform_6, window_bounds = array<i64: 2048, 128>}]} {
    %eq3A = arith.constant 0 : i32
    %eq3A_0 = arith.cmpi eq, %arg0, %eq3A : i32
    %convert_element_type3A = arith.extui %eq3A_0 : i1 to i32
    %cond3A = arith.constant 0 : i32
    %cond3A_1 = arith.cmpi ne, %convert_element_type3A, %cond3A : i32
    scf.if %cond3A_1 {
      %broadcast_in_dim3A_459 = arith.constant 0.000000e+00 : bf16
      %broadcast_in_dim3A_460 = vector.broadcast %broadcast_in_dim3A_459 : bf16 to vector<256x384xbf16>
      %swap3A_461 = arith.constant 0 : index
      %swap3A_462 = arith.constant 0 : index
      %swap3A_463 = vector.load %arg8[%swap3A_461, %swap3A_462] : memref<256x384xbf16, #tpu.memory_space<vmem>>, vector<256x384xbf16>
      tpu.vector_store %arg8[%swap3A_461, %swap3A_462], %broadcast_in_dim3A_460 {strides = array<i32>} : memref<256x384xbf16, #tpu.memory_space<vmem>>, vector<256x384xbf16>,
      %get3A_464 = arith.constant 0 : index
      %get3A_465 = arith.constant 0 : index
      %get3A_466 = vector.load %arg3[%get3A_464, %get3A_465] : memref<64x128xf32, #tpu.memory_space<vmem>>, vector<64x128xf32>
      %convert_element_type3A_467 = arith.truncf %get3A_466 : vector<64x128xf32> to vector<64x128xbf16>
      %swap3A_468 = arith.constant 0 : index
      %swap3A_469 = arith.constant 0 : index
      %swap3A_470 = vector.load %arg8[%swap3A_468, %swap3A_469] : memref<256x384xbf16, #tpu.memory_space<vmem>>, vector<64x128xbf16>
      tpu.vector_store %arg8[%swap3A_468, %swap3A_469], %convert_element_type3A_467 {strides = array<i32>} : memref<256x384xbf16, #tpu.memory_space<vmem>>, vector<64x128xbf16>,
      %get3A_471 = arith.constant 0 : index
      %get3A_472 = arith.constant 0 : index
      %get3A_473 = vector.load %arg4[%get3A_471, %get3A_472] : memref<128x128xf32, #tpu.memory_space<vmem>>, vector<128x128xf32>
      %convert_element_type3A_474 = arith.truncf %get3A_473 : vector<128x128xf32> to vector<128x128xbf16>
      %swap3A_475 = arith.constant 0 : index
      %swap3A_476 = arith.constant 128 : index
      %swap3A_477 = vector.load %arg8[%swap3A_475, %swap3A_476] : memref<256x384xbf16, #tpu.memory_space<vmem>>, vector<128x128xbf16>
      tpu.vector_store %arg8[%swap3A_475, %swap3A_476], %convert_element_type3A_474 {strides = array<i32>} : memref<256x384xbf16, #tpu.memory_space<vmem>>, vector<128x128xbf16>,
      %get3A_478 = arith.constant 0 : index
      %get3A_479 = arith.constant 0 : index
      %get3A_480 = vector.load %arg5[%get3A_478, %get3A_479] : memref<256x128xf32, #tpu.memory_space<vmem>>, vector<256x128xf32>
      %convert_element_type3A_481 = arith.truncf %get3A_480 : vector<256x128xf32> to vector<256x128xbf16>
      %swap3A_482 = arith.constant 0 : index
      %swap3A_483 = arith.constant 256 : index
      %swap3A_484 = vector.load %arg8[%swap3A_482, %swap3A_483] : memref<256x384xbf16, #tpu.memory_space<vmem>>, vector<256x128xbf16>
      tpu.vector_store %arg8[%swap3A_482, %swap3A_483], %convert_element_type3A_481 {strides = array<i32>} : memref<256x384xbf16, #tpu.memory_space<vmem>>, vector<256x128xbf16>,
    } else {
    }
    %get3A = arith.constant 0 : index
    %get3A_2 = arith.constant 0 : index
    %get3A_3 = vector.load %arg2[%get3A, %get3A_2] : memref<2048x256xf32, #tpu.memory_space<vmem>>, vector<2048x256xf32>
    %convert_element_type3A_4 = arith.truncf %get3A_3 : vector<2048x256xf32> to vector<2048x256xbf16>
    %get3A_5 = arith.constant 0 : index
    %get3A_6 = arith.constant 0 : index
    %get3A_7 = vector.load %arg8[%get3A_5, %get3A_6] : memref<256x384xbf16, #tpu.memory_space<vmem>>, vector<256x384xbf16>
    %dot_general3A = arith.constant dense<0.000000e+00> : vector<2048x384xf32>
    %dot_general3A_8 = tpu.matmul %convert_element_type3A_4, %get3A_7, %dot_general3A {dimension_numbers = #tpu.dot_dimension_numbers<[1], [0], [0], [1], [0, 0, 1, 1], [], []>, transpose_lhs_hint = false} : vector<2048x256xbf16>, vector<256x384xbf16>, vector<2048x384xf32> -> vector<2048x384xf32>
    %get3A_9 = arith.constant 0 : index
    %get3A_10 = arith.constant 0 : index
    %get3A_11 = vector.load %arg6[%get3A_9, %get3A_10] : memref<1x384xf32, #tpu.memory_space<vmem>>, vector<1x384xf32>
    %add3A = vector.broadcast %get3A_11 : vector<1x384xf32> to vector<2048x384xf32>
    %add3A_12 = arith.addf %dot_general3A_8, %add3A : vector<2048x384xf32>
    %get3A_13 = arith.constant 0 : index
    %get3A_14 = arith.constant 0 : index
    %get3A_15 = vector.load %arg1[%get3A_13, %get3A_14] : memref<16x128xi32, #tpu.memory_space<vmem>>, vector<16x128xi32>
    %transpose3A = tpu.transpose %get3A_15, [1, 0] : vector<16x128xi32> -> vector<128x16xi32>
    %slice3A = vector.extract_strided_slice %transpose3A {offsets = [0, 0], sizes = [128, 1], strides = [1, 1]} : vector<128x16xi32> to vector<128x1xi32>
    %slice3A_16 = vector.extract_strided_slice %add3A_12 {offsets = [0, 0], sizes = [128, 384], strides = [1, 1]} : vector<2048x384xf32> to vector<128x384xf32>
    %eq3A_17 = arith.constant 0 : i32
    %eq3A_18 = vector.broadcast %eq3A_17 : i32 to vector<128x1xi32>
    %eq3A_19 = arith.cmpi eq, %slice3A, %eq3A_18 : vector<128x1xi32>
    %slice3A_20 = vector.extract_strided_slice %slice3A_16 {offsets = [0, 0], sizes = [128, 128], strides = [1, 1]} : vector<128x384xf32> to vector<128x128xf32>
    %eq3A_21 = arith.constant 1 : i32
    %eq3A_22 = vector.broadcast %eq3A_21 : i32 to vector<128x1xi32>
    %eq3A_23 = arith.cmpi eq, %slice3A, %eq3A_22 : vector<128x1xi32>
    %slice3A_24 = vector.extract_strided_slice %slice3A_16 {offsets = [0, 128], sizes = [128, 128], strides = [1, 1]} : vector<128x384xf32> to vector<128x128xf32>
    %eq3A_25 = arith.constant 2 : i32
    %eq3A_26 = vector.broadcast %eq3A_25 : i32 to vector<128x1xi32>
    %eq3A_27 = arith.cmpi eq, %slice3A, %eq3A_26 : vector<128x1xi32>
    %slice3A_28 = vector.extract_strided_slice %slice3A_16 {offsets = [0, 256], sizes = [128, 128], strides = [1, 1]} : vector<128x384xf32> to vector<128x128xf32>
    %jit3A = arith.constant 0.000000e+00 : f32
    %broadcast_in_dim3A = vector.shape_cast %eq3A_27 : vector<128x1xi1> to vector<128x1xi1>
    %broadcast_in_dim3A_29 = vector.broadcast %broadcast_in_dim3A : vector<128x1xi1> to vector<128x128xi1>
    %broadcast_in_dim3A_30 = vector.broadcast %jit3A : f32 to vector<128x128xf32>
    %select_n3A = arith.select %broadcast_in_dim3A_29, %slice3A_28, %broadcast_in_dim3A_30 : vector<128x128xi1>, vector<128x128xf32>
    %broadcast_in_dim3A_31 = vector.shape_cast %eq3A_23 : vector<128x1xi1> to vector<128x1xi1>
    %broadcast_in_dim3A_32 = vector.broadcast %broadcast_in_dim3A_31 : vector<128x1xi1> to vector<128x128xi1>
    %select_n3A_33 = arith.select %broadcast_in_dim3A_32, %slice3A_24, %select_n3A : vector<128x128xi1>, vector<128x128xf32>
    %broadcast_in_dim3A_34 = vector.shape_cast %eq3A_19 : vector<128x1xi1> to vector<128x1xi1>
    %broadcast_in_dim3A_35 = vector.broadcast %broadcast_in_dim3A_34 : vector<128x1xi1> to vector<128x128xi1>
    %select_n3A_36 = arith.select %broadcast_in_dim3A_35, %slice3A_20, %select_n3A_33 : vector<128x128xi1>, vector<128x128xf32>
    %swap3A = arith.constant 0 : index
    %swap3A_37 = arith.constant 0 : index
    %swap3A_38 = vector.load %arg7[%swap3A, %swap3A_37] : memref<2048x128xf32, #tpu.memory_space<vmem>>, vector<128x128xf32>
    tpu.vector_store %arg7[%swap3A, %swap3A_37], %select_n3A_36 {strides = array<i32>} : memref<2048x128xf32, #tpu.memory_space<vmem>>, vector<128x128xf32>,
    %slice3A_39 = vector.extract_strided_slice %transpose3A {offsets = [0, 1], sizes = [128, 1], strides = [1, 1]} : vector<128x16xi32> to vector<128x1xi32>
    %slice3A_40 = vector.extract_strided_slice %add3A_12 {offsets = [128, 0], sizes = [128, 384], strides = [1, 1]} : vector<2048x384xf32> to vector<128x384xf32>
    %eq3A_41 = arith.constant 0 : i32
    %eq3A_42 = vector.broadcast %eq3A_41 : i32 to vector<128x1xi32>
    %eq3A_43 = arith.cmpi eq, %slice3A_39, %eq3A_42 : vector<128x1xi32>
    %slice3A_44 = vector.extract_strided_slice %slice3A_40 {offsets = [0, 0], sizes = [128, 128], strides = [1, 1]} : vector<128x384xf32> to vector<128x128xf32>
    %eq3A_45 = arith.constant 1 : i32
    %eq3A_46 = vector.broadcast %eq3A_45 : i32 to vector<128x1xi32>
    %eq3A_47 = arith.cmpi eq, %slice3A_39, %eq3A_46 : vector<128x1xi32>
    %slice3A_48 = vector.extract_strided_slice %slice3A_40 {offsets = [0, 128], sizes = [128, 128], strides = [1, 1]} : vector<128x384xf32> to vector<128x128xf32>
    %eq3A_49 = arith.constant 2 : i32
    %eq3A_50 = vector.broadcast %eq3A_49 : i32 to vector<128x1xi32>
    %eq3A_51 = arith.cmpi eq, %slice3A_39, %eq3A_50 : vector<128x1xi32>
    %slice3A_52 = vector.extract_strided_slice %slice3A_40 {offsets = [0, 256], sizes = [128, 128], strides = [1, 1]} : vector<128x384xf32> to vector<128x128xf32>
    %jit3A_53 = arith.constant 0.000000e+00 : f32
    %broadcast_in_dim3A_54 = vector.shape_cast %eq3A_51 : vector<128x1xi1> to vector<128x1xi1>
    %broadcast_in_dim3A_55 = vector.broadcast %broadcast_in_dim3A_54 : vector<128x1xi1> to vector<128x128xi1>
    %broadcast_in_dim3A_56 = vector.broadcast %jit3A_53 : f32 to vector<128x128xf32>
    %select_n3A_57 = arith.select %broadcast_in_dim3A_55, %slice3A_52, %broadcast_in_dim3A_56 : vector<128x128xi1>, vector<128x128xf32>
    %broadcast_in_dim3A_58 = vector.shape_cast %eq3A_47 : vector<128x1xi1> to vector<128x1xi1>
    %broadcast_in_dim3A_59 = vector.broadcast %broadcast_in_dim3A_58 : vector<128x1xi1> to vector<128x128xi1>
    %select_n3A_60 = arith.select %broadcast_in_dim3A_59, %slice3A_48, %select_n3A_57 : vector<128x128xi1>, vector<128x128xf32>
    %broadcast_in_dim3A_61 = vector.shape_cast %eq3A_43 : vector<128x1xi1> to vector<128x1xi1>
    %broadcast_in_dim3A_62 = vector.broadcast %broadcast_in_dim3A_61 : vector<128x1xi1> to vector<128x128xi1>
    %select_n3A_63 = arith.select %broadcast_in_dim3A_62, %slice3A_44, %select_n3A_60 : vector<128x128xi1>, vector<128x128xf32>
    %swap3A_64 = arith.constant 128 : index
    %swap3A_65 = arith.constant 0 : index
    %swap3A_66 = vector.load %arg7[%swap3A_64, %swap3A_65] : memref<2048x128xf32, #tpu.memory_space<vmem>>, vector<128x128xf32>
    tpu.vector_store %arg7[%swap3A_64, %swap3A_65], %select_n3A_63 {strides = array<i32>} : memref<2048x128xf32, #tpu.memory_space<vmem>>, vector<128x128xf32>,
    %slice3A_67 = vector.extract_strided_slice %transpose3A {offsets = [0, 2], sizes = [128, 1], strides = [1, 1]} : vector<128x16xi32> to vector<128x1xi32>
    %slice3A_68 = vector.extract_strided_slice %add3A_12 {offsets = [256, 0], sizes = [128, 384], strides = [1, 1]} : vector<2048x384xf32> to vector<128x384xf32>
    %eq3A_69 = arith.constant 0 : i32
    %eq3A_70 = vector.broadcast %eq3A_69 : i32 to vector<128x1xi32>
    %eq3A_71 = arith.cmpi eq, %slice3A_67, %eq3A_70 : vector<128x1xi32>
    %slice3A_72 = vector.extract_strided_slice %slice3A_68 {offsets = [0, 0], sizes = [128, 128], strides = [1, 1]} : vector<128x384xf32> to vector<128x128xf32>
    %eq3A_73 = arith.constant 1 : i32
    %eq3A_74 = vector.broadcast %eq3A_73 : i32 to vector<128x1xi32>
    %eq3A_75 = arith.cmpi eq, %slice3A_67, %eq3A_74 : vector<128x1xi32>
    %slice3A_76 = vector.extract_strided_slice %slice3A_68 {offsets = [0, 128], sizes = [128, 128], strides = [1, 1]} : vector<128x384xf32> to vector<128x128xf32>
    %eq3A_77 = arith.constant 2 : i32
    %eq3A_78 = vector.broadcast %eq3A_77 : i32 to vector<128x1xi32>
    %eq3A_79 = arith.cmpi eq, %slice3A_67, %eq3A_78 : vector<128x1xi32>
    %slice3A_80 = vector.extract_strided_slice %slice3A_68 {offsets = [0, 256], sizes = [128, 128], strides = [1, 1]} : vector<128x384xf32> to vector<128x128xf32>
    %jit3A_81 = arith.constant 0.000000e+00 : f32
    %broadcast_in_dim3A_82 = vector.shape_cast %eq3A_79 : vector<128x1xi1> to vector<128x1xi1>
    %broadcast_in_dim3A_83 = vector.broadcast %broadcast_in_dim3A_82 : vector<128x1xi1> to vector<128x128xi1>
    %broadcast_in_dim3A_84 = vector.broadcast %jit3A_81 : f32 to vector<128x128xf32>
    %select_n3A_85 = arith.select %broadcast_in_dim3A_83, %slice3A_80, %broadcast_in_dim3A_84 : vector<128x128xi1>, vector<128x128xf32>
    %broadcast_in_dim3A_86 = vector.shape_cast %eq3A_75 : vector<128x1xi1> to vector<128x1xi1>
    %broadcast_in_dim3A_87 = vector.broadcast %broadcast_in_dim3A_86 : vector<128x1xi1> to vector<128x128xi1>
    %select_n3A_88 = arith.select %broadcast_in_dim3A_87, %slice3A_76, %select_n3A_85 : vector<128x128xi1>, vector<128x128xf32>
    %broadcast_in_dim3A_89 = vector.shape_cast %eq3A_71 : vector<128x1xi1> to vector<128x1xi1>
    %broadcast_in_dim3A_90 = vector.broadcast %broadcast_in_dim3A_89 : vector<128x1xi1> to vector<128x128xi1>
    %select_n3A_91 = arith.select %broadcast_in_dim3A_90, %slice3A_72, %select_n3A_88 : vector<128x128xi1>, vector<128x128xf32>
    %swap3A_92 = arith.constant 256 : index
    %swap3A_93 = arith.constant 0 : index
    %swap3A_94 = vector.load %arg7[%swap3A_92, %swap3A_93] : memref<2048x128xf32, #tpu.memory_space<vmem>>, vector<128x128xf32>
    tpu.vector_store %arg7[%swap3A_92, %swap3A_93], %select_n3A_91 {strides = array<i32>} : memref<2048x128xf32, #tpu.memory_space<vmem>>, vector<128x128xf32>,
    %slice3A_95 = vector.extract_strided_slice %transpose3A {offsets = [0, 3], sizes = [128, 1], strides = [1, 1]} : vector<128x16xi32> to vector<128x1xi32>
    %slice3A_96 = vector.extract_strided_slice %add3A_12 {offsets = [384, 0], sizes = [128, 384], strides = [1, 1]} : vector<2048x384xf32> to vector<128x384xf32>
    %eq3A_97 = arith.constant 0 : i32
    %eq3A_98 = vector.broadcast %eq3A_97 : i32 to vector<128x1xi32>
    %eq3A_99 = arith.cmpi eq, %slice3A_95, %eq3A_98 : vector<128x1xi32>
    %slice3A_100 = vector.extract_strided_slice %slice3A_96 {offsets = [0, 0], sizes = [128, 128], strides = [1, 1]} : vector<128x384xf32> to vector<128x128xf32>
    %eq3A_101 = arith.constant 1 : i32
    %eq3A_102 = vector.broadcast %eq3A_101 : i32 to vector<128x1xi32>
    %eq3A_103 = arith.cmpi eq, %slice3A_95, %eq3A_102 : vector<128x1xi32>
    %slice3A_104 = vector.extract_strided_slice %slice3A_96 {offsets = [0, 128], sizes = [128, 128], strides = [1, 1]} : vector<128x384xf32> to vector<128x128xf32>
    %eq3A_105 = arith.constant 2 : i32
    %eq3A_106 = vector.broadcast %eq3A_105 : i32 to vector<128x1xi32>
    %eq3A_107 = arith.cmpi eq, %slice3A_95, %eq3A_106 : vector<128x1xi32>
    %slice3A_108 = vector.extract_strided_slice %slice3A_96 {offsets = [0, 256], sizes = [128, 128], strides = [1, 1]} : vector<128x384xf32> to vector<128x128xf32>
    %jit3A_109 = arith.constant 0.000000e+00 : f32
    %broadcast_in_dim3A_110 = vector.shape_cast %eq3A_107 : vector<128x1xi1> to vector<128x1xi1>
    %broadcast_in_dim3A_111 = vector.broadcast %broadcast_in_dim3A_110 : vector<128x1xi1> to vector<128x128xi1>
    %broadcast_in_dim3A_112 = vector.broadcast %jit3A_109 : f32 to vector<128x128xf32>
    %select_n3A_113 = arith.select %broadcast_in_dim3A_111, %slice3A_108, %broadcast_in_dim3A_112 : vector<128x128xi1>, vector<128x128xf32>
    %broadcast_in_dim3A_114 = vector.shape_cast %eq3A_103 : vector<128x1xi1> to vector<128x1xi1>
    %broadcast_in_dim3A_115 = vector.broadcast %broadcast_in_dim3A_114 : vector<128x1xi1> to vector<128x128xi1>
    %select_n3A_116 = arith.select %broadcast_in_dim3A_115, %slice3A_104, %select_n3A_113 : vector<128x128xi1>, vector<128x128xf32>
    %broadcast_in_dim3A_117 = vector.shape_cast %eq3A_99 : vector<128x1xi1> to vector<128x1xi1>
    %broadcast_in_dim3A_118 = vector.broadcast %broadcast_in_dim3A_117 : vector<128x1xi1> to vector<128x128xi1>
    %select_n3A_119 = arith.select %broadcast_in_dim3A_118, %slice3A_100, %select_n3A_116 : vector<128x128xi1>, vector<128x128xf32>
    %swap3A_120 = arith.constant 384 : index
    %swap3A_121 = arith.constant 0 : index
    %swap3A_122 = vector.load %arg7[%swap3A_120, %swap3A_121] : memref<2048x128xf32, #tpu.memory_space<vmem>>, vector<128x128xf32>
    tpu.vector_store %arg7[%swap3A_120, %swap3A_121], %select_n3A_119 {strides = array<i32>} : memref<2048x128xf32, #tpu.memory_space<vmem>>, vector<128x128xf32>,
    %slice3A_123 = vector.extract_strided_slice %transpose3A {offsets = [0, 4], sizes = [128, 1], strides = [1, 1]} : vector<128x16xi32> to vector<128x1xi32>
    %slice3A_124 = vector.extract_strided_slice %add3A_12 {offsets = [512, 0], sizes = [128, 384], strides = [1, 1]} : vector<2048x384xf32> to vector<128x384xf32>
    %eq3A_125 = arith.constant 0 : i32
    %eq3A_126 = vector.broadcast %eq3A_125 : i32 to vector<128x1xi32>
    %eq3A_127 = arith.cmpi eq, %slice3A_123, %eq3A_126 : vector<128x1xi32>
    %slice3A_128 = vector.extract_strided_slice %slice3A_124 {offsets = [0, 0], sizes = [128, 128], strides = [1, 1]} : vector<128x384xf32> to vector<128x128xf32>
    %eq3A_129 = arith.constant 1 : i32
    %eq3A_130 = vector.broadcast %eq3A_129 : i32 to vector<128x1xi32>
    %eq3A_131 = arith.cmpi eq, %slice3A_123, %eq3A_130 : vector<128x1xi32>
    %slice3A_132 = vector.extract_strided_slice %slice3A_124 {offsets = [0, 128], sizes = [128, 128], strides = [1, 1]} : vector<128x384xf32> to vector<128x128xf32>
    %eq3A_133 = arith.constant 2 : i32
    %eq3A_134 = vector.broadcast %eq3A_133 : i32 to vector<128x1xi32>
    %eq3A_135 = arith.cmpi eq, %slice3A_123, %eq3A_134 : vector<128x1xi32>
    %slice3A_136 = vector.extract_strided_slice %slice3A_124 {offsets = [0, 256], sizes = [128, 128], strides = [1, 1]} : vector<128x384xf32> to vector<128x128xf32>
    %jit3A_137 = arith.constant 0.000000e+00 : f32
    %broadcast_in_dim3A_138 = vector.shape_cast %eq3A_135 : vector<128x1xi1> to vector<128x1xi1>
    %broadcast_in_dim3A_139 = vector.broadcast %broadcast_in_dim3A_138 : vector<128x1xi1> to vector<128x128xi1>
    %broadcast_in_dim3A_140 = vector.broadcast %jit3A_137 : f32 to vector<128x128xf32>
    %select_n3A_141 = arith.select %broadcast_in_dim3A_139, %slice3A_136, %broadcast_in_dim3A_140 : vector<128x128xi1>, vector<128x128xf32>
    %broadcast_in_dim3A_142 = vector.shape_cast %eq3A_131 : vector<128x1xi1> to vector<128x1xi1>
    %broadcast_in_dim3A_143 = vector.broadcast %broadcast_in_dim3A_142 : vector<128x1xi1> to vector<128x128xi1>
    %select_n3A_144 = arith.select %broadcast_in_dim3A_143, %slice3A_132, %select_n3A_141 : vector<128x128xi1>, vector<128x128xf32>
    %broadcast_in_dim3A_145 = vector.shape_cast %eq3A_127 : vector<128x1xi1> to vector<128x1xi1>
    %broadcast_in_dim3A_146 = vector.broadcast %broadcast_in_dim3A_145 : vector<128x1xi1> to vector<128x128xi1>
    %select_n3A_147 = arith.select %broadcast_in_dim3A_146, %slice3A_128, %select_n3A_144 : vector<128x128xi1>, vector<128x128xf32>
    %swap3A_148 = arith.constant 512 : index
    %swap3A_149 = arith.constant 0 : index
    %swap3A_150 = vector.load %arg7[%swap3A_148, %swap3A_149] : memref<2048x128xf32, #tpu.memory_space<vmem>>, vector<128x128xf32>
    tpu.vector_store %arg7[%swap3A_148, %swap3A_149], %select_n3A_147 {strides = array<i32>} : memref<2048x128xf32, #tpu.memory_space<vmem>>, vector<128x128xf32>,
    %slice3A_151 = vector.extract_strided_slice %transpose3A {offsets = [0, 5], sizes = [128, 1], strides = [1, 1]} : vector<128x16xi32> to vector<128x1xi32>
    %slice3A_152 = vector.extract_strided_slice %add3A_12 {offsets = [640, 0], sizes = [128, 384], strides = [1, 1]} : vector<2048x384xf32> to vector<128x384xf32>
    %eq3A_153 = arith.constant 0 : i32
    %eq3A_154 = vector.broadcast %eq3A_153 : i32 to vector<128x1xi32>
    %eq3A_155 = arith.cmpi eq, %slice3A_151, %eq3A_154 : vector<128x1xi32>
    %slice3A_156 = vector.extract_strided_slice %slice3A_152 {offsets = [0, 0], sizes = [128, 128], strides = [1, 1]} : vector<128x384xf32> to vector<128x128xf32>
    %eq3A_157 = arith.constant 1 : i32
    %eq3A_158 = vector.broadcast %eq3A_157 : i32 to vector<128x1xi32>
    %eq3A_159 = arith.cmpi eq, %slice3A_151, %eq3A_158 : vector<128x1xi32>
    %slice3A_160 = vector.extract_strided_slice %slice3A_152 {offsets = [0, 128], sizes = [128, 128], strides = [1, 1]} : vector<128x384xf32> to vector<128x128xf32>
    %eq3A_161 = arith.constant 2 : i32
    %eq3A_162 = vector.broadcast %eq3A_161 : i32 to vector<128x1xi32>
    %eq3A_163 = arith.cmpi eq, %slice3A_151, %eq3A_162 : vector<128x1xi32>
    %slice3A_164 = vector.extract_strided_slice %slice3A_152 {offsets = [0, 256], sizes = [128, 128], strides = [1, 1]} : vector<128x384xf32> to vector<128x128xf32>
    %jit3A_165 = arith.constant 0.000000e+00 : f32
    %broadcast_in_dim3A_166 = vector.shape_cast %eq3A_163 : vector<128x1xi1> to vector<128x1xi1>
    %broadcast_in_dim3A_167 = vector.broadcast %broadcast_in_dim3A_166 : vector<128x1xi1> to vector<128x128xi1>
    %broadcast_in_dim3A_168 = vector.broadcast %jit3A_165 : f32 to vector<128x128xf32>
    %select_n3A_169 = arith.select %broadcast_in_dim3A_167, %slice3A_164, %broadcast_in_dim3A_168 : vector<128x128xi1>, vector<128x128xf32>
    %broadcast_in_dim3A_170 = vector.shape_cast %eq3A_159 : vector<128x1xi1> to vector<128x1xi1>
    %broadcast_in_dim3A_171 = vector.broadcast %broadcast_in_dim3A_170 : vector<128x1xi1> to vector<128x128xi1>
    %select_n3A_172 = arith.select %broadcast_in_dim3A_171, %slice3A_160, %select_n3A_169 : vector<128x128xi1>, vector<128x128xf32>
    %broadcast_in_dim3A_173 = vector.shape_cast %eq3A_155 : vector<128x1xi1> to vector<128x1xi1>
    %broadcast_in_dim3A_174 = vector.broadcast %broadcast_in_dim3A_173 : vector<128x1xi1> to vector<128x128xi1>
    %select_n3A_175 = arith.select %broadcast_in_dim3A_174, %slice3A_156, %select_n3A_172 : vector<128x128xi1>, vector<128x128xf32>
    %swap3A_176 = arith.constant 640 : index
    %swap3A_177 = arith.constant 0 : index
    %swap3A_178 = vector.load %arg7[%swap3A_176, %swap3A_177] : memref<2048x128xf32, #tpu.memory_space<vmem>>, vector<128x128xf32>
    tpu.vector_store %arg7[%swap3A_176, %swap3A_177], %select_n3A_175 {strides = array<i32>} : memref<2048x128xf32, #tpu.memory_space<vmem>>, vector<128x128xf32>,
    %slice3A_179 = vector.extract_strided_slice %transpose3A {offsets = [0, 6], sizes = [128, 1], strides = [1, 1]} : vector<128x16xi32> to vector<128x1xi32>
    %slice3A_180 = vector.extract_strided_slice %add3A_12 {offsets = [768, 0], sizes = [128, 384], strides = [1, 1]} : vector<2048x384xf32> to vector<128x384xf32>
    %eq3A_181 = arith.constant 0 : i32
    %eq3A_182 = vector.broadcast %eq3A_181 : i32 to vector<128x1xi32>
    %eq3A_183 = arith.cmpi eq, %slice3A_179, %eq3A_182 : vector<128x1xi32>
    %slice3A_184 = vector.extract_strided_slice %slice3A_180 {offsets = [0, 0], sizes = [128, 128], strides = [1, 1]} : vector<128x384xf32> to vector<128x128xf32>
    %eq3A_185 = arith.constant 1 : i32
    %eq3A_186 = vector.broadcast %eq3A_185 : i32 to vector<128x1xi32>
    %eq3A_187 = arith.cmpi eq, %slice3A_179, %eq3A_186 : vector<128x1xi32>
    %slice3A_188 = vector.extract_strided_slice %slice3A_180 {offsets = [0, 128], sizes = [128, 128], strides = [1, 1]} : vector<128x384xf32> to vector<128x128xf32>
    %eq3A_189 = arith.constant 2 : i32
    %eq3A_190 = vector.broadcast %eq3A_189 : i32 to vector<128x1xi32>
    %eq3A_191 = arith.cmpi eq, %slice3A_179, %eq3A_190 : vector<128x1xi32>
    %slice3A_192 = vector.extract_strided_slice %slice3A_180 {offsets = [0, 256], sizes = [128, 128], strides = [1, 1]} : vector<128x384xf32> to vector<128x128xf32>
    %jit3A_193 = arith.constant 0.000000e+00 : f32
    %broadcast_in_dim3A_194 = vector.shape_cast %eq3A_191 : vector<128x1xi1> to vector<128x1xi1>
    %broadcast_in_dim3A_195 = vector.broadcast %broadcast_in_dim3A_194 : vector<128x1xi1> to vector<128x128xi1>
    %broadcast_in_dim3A_196 = vector.broadcast %jit3A_193 : f32 to vector<128x128xf32>
    %select_n3A_197 = arith.select %broadcast_in_dim3A_195, %slice3A_192, %broadcast_in_dim3A_196 : vector<128x128xi1>, vector<128x128xf32>
    %broadcast_in_dim3A_198 = vector.shape_cast %eq3A_187 : vector<128x1xi1> to vector<128x1xi1>
    %broadcast_in_dim3A_199 = vector.broadcast %broadcast_in_dim3A_198 : vector<128x1xi1> to vector<128x128xi1>
    %select_n3A_200 = arith.select %broadcast_in_dim3A_199, %slice3A_188, %select_n3A_197 : vector<128x128xi1>, vector<128x128xf32>
    %broadcast_in_dim3A_201 = vector.shape_cast %eq3A_183 : vector<128x1xi1> to vector<128x1xi1>
    %broadcast_in_dim3A_202 = vector.broadcast %broadcast_in_dim3A_201 : vector<128x1xi1> to vector<128x128xi1>
    %select_n3A_203 = arith.select %broadcast_in_dim3A_202, %slice3A_184, %select_n3A_200 : vector<128x128xi1>, vector<128x128xf32>
    %swap3A_204 = arith.constant 768 : index
    %swap3A_205 = arith.constant 0 : index
    %swap3A_206 = vector.load %arg7[%swap3A_204, %swap3A_205] : memref<2048x128xf32, #tpu.memory_space<vmem>>, vector<128x128xf32>
    tpu.vector_store %arg7[%swap3A_204, %swap3A_205], %select_n3A_203 {strides = array<i32>} : memref<2048x128xf32, #tpu.memory_space<vmem>>, vector<128x128xf32>,
    %slice3A_207 = vector.extract_strided_slice %transpose3A {offsets = [0, 7], sizes = [128, 1], strides = [1, 1]} : vector<128x16xi32> to vector<128x1xi32>
    %slice3A_208 = vector.extract_strided_slice %add3A_12 {offsets = [896, 0], sizes = [128, 384], strides = [1, 1]} : vector<2048x384xf32> to vector<128x384xf32>
    %eq3A_209 = arith.constant 0 : i32
    %eq3A_210 = vector.broadcast %eq3A_209 : i32 to vector<128x1xi32>
    %eq3A_211 = arith.cmpi eq, %slice3A_207, %eq3A_210 : vector<128x1xi32>
    %slice3A_212 = vector.extract_strided_slice %slice3A_208 {offsets = [0, 0], sizes = [128, 128], strides = [1, 1]} : vector<128x384xf32> to vector<128x128xf32>
    %eq3A_213 = arith.constant 1 : i32
    %eq3A_214 = vector.broadcast %eq3A_213 : i32 to vector<128x1xi32>
    %eq3A_215 = arith.cmpi eq, %slice3A_207, %eq3A_214 : vector<128x1xi32>
    %slice3A_216 = vector.extract_strided_slice %slice3A_208 {offsets = [0, 128], sizes = [128, 128], strides = [1, 1]} : vector<128x384xf32> to vector<128x128xf32>
    %eq3A_217 = arith.constant 2 : i32
    %eq3A_218 = vector.broadcast %eq3A_217 : i32 to vector<128x1xi32>
    %eq3A_219 = arith.cmpi eq, %slice3A_207, %eq3A_218 : vector<128x1xi32>
    %slice3A_220 = vector.extract_strided_slice %slice3A_208 {offsets = [0, 256], sizes = [128, 128], strides = [1, 1]} : vector<128x384xf32> to vector<128x128xf32>
    %jit3A_221 = arith.constant 0.000000e+00 : f32
    %broadcast_in_dim3A_222 = vector.shape_cast %eq3A_219 : vector<128x1xi1> to vector<128x1xi1>
    %broadcast_in_dim3A_223 = vector.broadcast %broadcast_in_dim3A_222 : vector<128x1xi1> to vector<128x128xi1>
    %broadcast_in_dim3A_224 = vector.broadcast %jit3A_221 : f32 to vector<128x128xf32>
    %select_n3A_225 = arith.select %broadcast_in_dim3A_223, %slice3A_220, %broadcast_in_dim3A_224 : vector<128x128xi1>, vector<128x128xf32>
    %broadcast_in_dim3A_226 = vector.shape_cast %eq3A_215 : vector<128x1xi1> to vector<128x1xi1>
    %broadcast_in_dim3A_227 = vector.broadcast %broadcast_in_dim3A_226 : vector<128x1xi1> to vector<128x128xi1>
    %select_n3A_228 = arith.select %broadcast_in_dim3A_227, %slice3A_216, %select_n3A_225 : vector<128x128xi1>, vector<128x128xf32>
    %broadcast_in_dim3A_229 = vector.shape_cast %eq3A_211 : vector<128x1xi1> to vector<128x1xi1>
    %broadcast_in_dim3A_230 = vector.broadcast %broadcast_in_dim3A_229 : vector<128x1xi1> to vector<128x128xi1>
    %select_n3A_231 = arith.select %broadcast_in_dim3A_230, %slice3A_212, %select_n3A_228 : vector<128x128xi1>, vector<128x128xf32>
    %swap3A_232 = arith.constant 896 : index
    %swap3A_233 = arith.constant 0 : index
    %swap3A_234 = vector.load %arg7[%swap3A_232, %swap3A_233] : memref<2048x128xf32, #tpu.memory_space<vmem>>, vector<128x128xf32>
    tpu.vector_store %arg7[%swap3A_232, %swap3A_233], %select_n3A_231 {strides = array<i32>} : memref<2048x128xf32, #tpu.memory_space<vmem>>, vector<128x128xf32>,
    %slice3A_235 = vector.extract_strided_slice %transpose3A {offsets = [0, 8], sizes = [128, 1], strides = [1, 1]} : vector<128x16xi32> to vector<128x1xi32>
    %slice3A_236 = vector.extract_strided_slice %add3A_12 {offsets = [1024, 0], sizes = [128, 384], strides = [1, 1]} : vector<2048x384xf32> to vector<128x384xf32>
    %eq3A_237 = arith.constant 0 : i32
    %eq3A_238 = vector.broadcast %eq3A_237 : i32 to vector<128x1xi32>
    %eq3A_239 = arith.cmpi eq, %slice3A_235, %eq3A_238 : vector<128x1xi32>
    %slice3A_240 = vector.extract_strided_slice %slice3A_236 {offsets = [0, 0], sizes = [128, 128], strides = [1, 1]} : vector<128x384xf32> to vector<128x128xf32>
    %eq3A_241 = arith.constant 1 : i32
    %eq3A_242 = vector.broadcast %eq3A_241 : i32 to vector<128x1xi32>
    %eq3A_243 = arith.cmpi eq, %slice3A_235, %eq3A_242 : vector<128x1xi32>
    %slice3A_244 = vector.extract_strided_slice %slice3A_236 {offsets = [0, 128], sizes = [128, 128], strides = [1, 1]} : vector<128x384xf32> to vector<128x128xf32>
    %eq3A_245 = arith.constant 2 : i32
    %eq3A_246 = vector.broadcast %eq3A_245 : i32 to vector<128x1xi32>
    %eq3A_247 = arith.cmpi eq, %slice3A_235, %eq3A_246 : vector<128x1xi32>
    %slice3A_248 = vector.extract_strided_slice %slice3A_236 {offsets = [0, 256], sizes = [128, 128], strides = [1, 1]} : vector<128x384xf32> to vector<128x128xf32>
    %jit3A_249 = arith.constant 0.000000e+00 : f32
    %broadcast_in_dim3A_250 = vector.shape_cast %eq3A_247 : vector<128x1xi1> to vector<128x1xi1>
    %broadcast_in_dim3A_251 = vector.broadcast %broadcast_in_dim3A_250 : vector<128x1xi1> to vector<128x128xi1>
    %broadcast_in_dim3A_252 = vector.broadcast %jit3A_249 : f32 to vector<128x128xf32>
    %select_n3A_253 = arith.select %broadcast_in_dim3A_251, %slice3A_248, %broadcast_in_dim3A_252 : vector<128x128xi1>, vector<128x128xf32>
    %broadcast_in_dim3A_254 = vector.shape_cast %eq3A_243 : vector<128x1xi1> to vector<128x1xi1>
    %broadcast_in_dim3A_255 = vector.broadcast %broadcast_in_dim3A_254 : vector<128x1xi1> to vector<128x128xi1>
    %select_n3A_256 = arith.select %broadcast_in_dim3A_255, %slice3A_244, %select_n3A_253 : vector<128x128xi1>, vector<128x128xf32>
    %broadcast_in_dim3A_257 = vector.shape_cast %eq3A_239 : vector<128x1xi1> to vector<128x1xi1>
    %broadcast_in_dim3A_258 = vector.broadcast %broadcast_in_dim3A_257 : vector<128x1xi1> to vector<128x128xi1>
    %select_n3A_259 = arith.select %broadcast_in_dim3A_258, %slice3A_240, %select_n3A_256 : vector<128x128xi1>, vector<128x128xf32>
    %swap3A_260 = arith.constant 1024 : index
    %swap3A_261 = arith.constant 0 : index
    %swap3A_262 = vector.load %arg7[%swap3A_260, %swap3A_261] : memref<2048x128xf32, #tpu.memory_space<vmem>>, vector<128x128xf32>
    tpu.vector_store %arg7[%swap3A_260, %swap3A_261], %select_n3A_259 {strides = array<i32>} : memref<2048x128xf32, #tpu.memory_space<vmem>>, vector<128x128xf32>,
    %slice3A_263 = vector.extract_strided_slice %transpose3A {offsets = [0, 9], sizes = [128, 1], strides = [1, 1]} : vector<128x16xi32> to vector<128x1xi32>
    %slice3A_264 = vector.extract_strided_slice %add3A_12 {offsets = [1152, 0], sizes = [128, 384], strides = [1, 1]} : vector<2048x384xf32> to vector<128x384xf32>
    %eq3A_265 = arith.constant 0 : i32
    %eq3A_266 = vector.broadcast %eq3A_265 : i32 to vector<128x1xi32>
    %eq3A_267 = arith.cmpi eq, %slice3A_263, %eq3A_266 : vector<128x1xi32>
    %slice3A_268 = vector.extract_strided_slice %slice3A_264 {offsets = [0, 0], sizes = [128, 128], strides = [1, 1]} : vector<128x384xf32> to vector<128x128xf32>
    %eq3A_269 = arith.constant 1 : i32
    %eq3A_270 = vector.broadcast %eq3A_269 : i32 to vector<128x1xi32>
    %eq3A_271 = arith.cmpi eq, %slice3A_263, %eq3A_270 : vector<128x1xi32>
    %slice3A_272 = vector.extract_strided_slice %slice3A_264 {offsets = [0, 128], sizes = [128, 128], strides = [1, 1]} : vector<128x384xf32> to vector<128x128xf32>
    %eq3A_273 = arith.constant 2 : i32
    %eq3A_274 = vector.broadcast %eq3A_273 : i32 to vector<128x1xi32>
    %eq3A_275 = arith.cmpi eq, %slice3A_263, %eq3A_274 : vector<128x1xi32>
    %slice3A_276 = vector.extract_strided_slice %slice3A_264 {offsets = [0, 256], sizes = [128, 128], strides = [1, 1]} : vector<128x384xf32> to vector<128x128xf32>
    %jit3A_277 = arith.constant 0.000000e+00 : f32
    %broadcast_in_dim3A_278 = vector.shape_cast %eq3A_275 : vector<128x1xi1> to vector<128x1xi1>
    %broadcast_in_dim3A_279 = vector.broadcast %broadcast_in_dim3A_278 : vector<128x1xi1> to vector<128x128xi1>
    %broadcast_in_dim3A_280 = vector.broadcast %jit3A_277 : f32 to vector<128x128xf32>
    %select_n3A_281 = arith.select %broadcast_in_dim3A_279, %slice3A_276, %broadcast_in_dim3A_280 : vector<128x128xi1>, vector<128x128xf32>
    %broadcast_in_dim3A_282 = vector.shape_cast %eq3A_271 : vector<128x1xi1> to vector<128x1xi1>
    %broadcast_in_dim3A_283 = vector.broadcast %broadcast_in_dim3A_282 : vector<128x1xi1> to vector<128x128xi1>
    %select_n3A_284 = arith.select %broadcast_in_dim3A_283, %slice3A_272, %select_n3A_281 : vector<128x128xi1>, vector<128x128xf32>
    %broadcast_in_dim3A_285 = vector.shape_cast %eq3A_267 : vector<128x1xi1> to vector<128x1xi1>
    %broadcast_in_dim3A_286 = vector.broadcast %broadcast_in_dim3A_285 : vector<128x1xi1> to vector<128x128xi1>
    %select_n3A_287 = arith.select %broadcast_in_dim3A_286, %slice3A_268, %select_n3A_284 : vector<128x128xi1>, vector<128x128xf32>
    %swap3A_288 = arith.constant 1152 : index
    %swap3A_289 = arith.constant 0 : index
    %swap3A_290 = vector.load %arg7[%swap3A_288, %swap3A_289] : memref<2048x128xf32, #tpu.memory_space<vmem>>, vector<128x128xf32>
    tpu.vector_store %arg7[%swap3A_288, %swap3A_289], %select_n3A_287 {strides = array<i32>} : memref<2048x128xf32, #tpu.memory_space<vmem>>, vector<128x128xf32>,
    %slice3A_291 = vector.extract_strided_slice %transpose3A {offsets = [0, 10], sizes = [128, 1], strides = [1, 1]} : vector<128x16xi32> to vector<128x1xi32>
    %slice3A_292 = vector.extract_strided_slice %add3A_12 {offsets = [1280, 0], sizes = [128, 384], strides = [1, 1]} : vector<2048x384xf32> to vector<128x384xf32>
    %eq3A_293 = arith.constant 0 : i32
    %eq3A_294 = vector.broadcast %eq3A_293 : i32 to vector<128x1xi32>
    %eq3A_295 = arith.cmpi eq, %slice3A_291, %eq3A_294 : vector<128x1xi32>
    %slice3A_296 = vector.extract_strided_slice %slice3A_292 {offsets = [0, 0], sizes = [128, 128], strides = [1, 1]} : vector<128x384xf32> to vector<128x128xf32>
    %eq3A_297 = arith.constant 1 : i32
    %eq3A_298 = vector.broadcast %eq3A_297 : i32 to vector<128x1xi32>
    %eq3A_299 = arith.cmpi eq, %slice3A_291, %eq3A_298 : vector<128x1xi32>
    %slice3A_300 = vector.extract_strided_slice %slice3A_292 {offsets = [0, 128], sizes = [128, 128], strides = [1, 1]} : vector<128x384xf32> to vector<128x128xf32>
    %eq3A_301 = arith.constant 2 : i32
    %eq3A_302 = vector.broadcast %eq3A_301 : i32 to vector<128x1xi32>
    %eq3A_303 = arith.cmpi eq, %slice3A_291, %eq3A_302 : vector<128x1xi32>
    %slice3A_304 = vector.extract_strided_slice %slice3A_292 {offsets = [0, 256], sizes = [128, 128], strides = [1, 1]} : vector<128x384xf32> to vector<128x128xf32>
    %jit3A_305 = arith.constant 0.000000e+00 : f32
    %broadcast_in_dim3A_306 = vector.shape_cast %eq3A_303 : vector<128x1xi1> to vector<128x1xi1>
    %broadcast_in_dim3A_307 = vector.broadcast %broadcast_in_dim3A_306 : vector<128x1xi1> to vector<128x128xi1>
    %broadcast_in_dim3A_308 = vector.broadcast %jit3A_305 : f32 to vector<128x128xf32>
    %select_n3A_309 = arith.select %broadcast_in_dim3A_307, %slice3A_304, %broadcast_in_dim3A_308 : vector<128x128xi1>, vector<128x128xf32>
    %broadcast_in_dim3A_310 = vector.shape_cast %eq3A_299 : vector<128x1xi1> to vector<128x1xi1>
    %broadcast_in_dim3A_311 = vector.broadcast %broadcast_in_dim3A_310 : vector<128x1xi1> to vector<128x128xi1>
    %select_n3A_312 = arith.select %broadcast_in_dim3A_311, %slice3A_300, %select_n3A_309 : vector<128x128xi1>, vector<128x128xf32>
    %broadcast_in_dim3A_313 = vector.shape_cast %eq3A_295 : vector<128x1xi1> to vector<128x1xi1>
    %broadcast_in_dim3A_314 = vector.broadcast %broadcast_in_dim3A_313 : vector<128x1xi1> to vector<128x128xi1>
    %select_n3A_315 = arith.select %broadcast_in_dim3A_314, %slice3A_296, %select_n3A_312 : vector<128x128xi1>, vector<128x128xf32>
    %swap3A_316 = arith.constant 1280 : index
    %swap3A_317 = arith.constant 0 : index
    %swap3A_318 = vector.load %arg7[%swap3A_316, %swap3A_317] : memref<2048x128xf32, #tpu.memory_space<vmem>>, vector<128x128xf32>
    tpu.vector_store %arg7[%swap3A_316, %swap3A_317], %select_n3A_315 {strides = array<i32>} : memref<2048x128xf32, #tpu.memory_space<vmem>>, vector<128x128xf32>,
    %slice3A_319 = vector.extract_strided_slice %transpose3A {offsets = [0, 11], sizes = [128, 1], strides = [1, 1]} : vector<128x16xi32> to vector<128x1xi32>
    %slice3A_320 = vector.extract_strided_slice %add3A_12 {offsets = [1408, 0], sizes = [128, 384], strides = [1, 1]} : vector<2048x384xf32> to vector<128x384xf32>
    %eq3A_321 = arith.constant 0 : i32
    %eq3A_322 = vector.broadcast %eq3A_321 : i32 to vector<128x1xi32>
    %eq3A_323 = arith.cmpi eq, %slice3A_319, %eq3A_322 : vector<128x1xi32>
    %slice3A_324 = vector.extract_strided_slice %slice3A_320 {offsets = [0, 0], sizes = [128, 128], strides = [1, 1]} : vector<128x384xf32> to vector<128x128xf32>
    %eq3A_325 = arith.constant 1 : i32
    %eq3A_326 = vector.broadcast %eq3A_325 : i32 to vector<128x1xi32>
    %eq3A_327 = arith.cmpi eq, %slice3A_319, %eq3A_326 : vector<128x1xi32>
    %slice3A_328 = vector.extract_strided_slice %slice3A_320 {offsets = [0, 128], sizes = [128, 128], strides = [1, 1]} : vector<128x384xf32> to vector<128x128xf32>
    %eq3A_329 = arith.constant 2 : i32
    %eq3A_330 = vector.broadcast %eq3A_329 : i32 to vector<128x1xi32>
    %eq3A_331 = arith.cmpi eq, %slice3A_319, %eq3A_330 : vector<128x1xi32>
    %slice3A_332 = vector.extract_strided_slice %slice3A_320 {offsets = [0, 256], sizes = [128, 128], strides = [1, 1]} : vector<128x384xf32> to vector<128x128xf32>
    %jit3A_333 = arith.constant 0.000000e+00 : f32
    %broadcast_in_dim3A_334 = vector.shape_cast %eq3A_331 : vector<128x1xi1> to vector<128x1xi1>
    %broadcast_in_dim3A_335 = vector.broadcast %broadcast_in_dim3A_334 : vector<128x1xi1> to vector<128x128xi1>
    %broadcast_in_dim3A_336 = vector.broadcast %jit3A_333 : f32 to vector<128x128xf32>
    %select_n3A_337 = arith.select %broadcast_in_dim3A_335, %slice3A_332, %broadcast_in_dim3A_336 : vector<128x128xi1>, vector<128x128xf32>
    %broadcast_in_dim3A_338 = vector.shape_cast %eq3A_327 : vector<128x1xi1> to vector<128x1xi1>
    %broadcast_in_dim3A_339 = vector.broadcast %broadcast_in_dim3A_338 : vector<128x1xi1> to vector<128x128xi1>
    %select_n3A_340 = arith.select %broadcast_in_dim3A_339, %slice3A_328, %select_n3A_337 : vector<128x128xi1>, vector<128x128xf32>
    %broadcast_in_dim3A_341 = vector.shape_cast %eq3A_323 : vector<128x1xi1> to vector<128x1xi1>
    %broadcast_in_dim3A_342 = vector.broadcast %broadcast_in_dim3A_341 : vector<128x1xi1> to vector<128x128xi1>
    %select_n3A_343 = arith.select %broadcast_in_dim3A_342, %slice3A_324, %select_n3A_340 : vector<128x128xi1>, vector<128x128xf32>
    %swap3A_344 = arith.constant 1408 : index
    %swap3A_345 = arith.constant 0 : index
    %swap3A_346 = vector.load %arg7[%swap3A_344, %swap3A_345] : memref<2048x128xf32, #tpu.memory_space<vmem>>, vector<128x128xf32>
    tpu.vector_store %arg7[%swap3A_344, %swap3A_345], %select_n3A_343 {strides = array<i32>} : memref<2048x128xf32, #tpu.memory_space<vmem>>, vector<128x128xf32>,
    %slice3A_347 = vector.extract_strided_slice %transpose3A {offsets = [0, 12], sizes = [128, 1], strides = [1, 1]} : vector<128x16xi32> to vector<128x1xi32>
    %slice3A_348 = vector.extract_strided_slice %add3A_12 {offsets = [1536, 0], sizes = [128, 384], strides = [1, 1]} : vector<2048x384xf32> to vector<128x384xf32>
    %eq3A_349 = arith.constant 0 : i32
    %eq3A_350 = vector.broadcast %eq3A_349 : i32 to vector<128x1xi32>
    %eq3A_351 = arith.cmpi eq, %slice3A_347, %eq3A_350 : vector<128x1xi32>
    %slice3A_352 = vector.extract_strided_slice %slice3A_348 {offsets = [0, 0], sizes = [128, 128], strides = [1, 1]} : vector<128x384xf32> to vector<128x128xf32>
    %eq3A_353 = arith.constant 1 : i32
    %eq3A_354 = vector.broadcast %eq3A_353 : i32 to vector<128x1xi32>
    %eq3A_355 = arith.cmpi eq, %slice3A_347, %eq3A_354 : vector<128x1xi32>
    %slice3A_356 = vector.extract_strided_slice %slice3A_348 {offsets = [0, 128], sizes = [128, 128], strides = [1, 1]} : vector<128x384xf32> to vector<128x128xf32>
    %eq3A_357 = arith.constant 2 : i32
    %eq3A_358 = vector.broadcast %eq3A_357 : i32 to vector<128x1xi32>
    %eq3A_359 = arith.cmpi eq, %slice3A_347, %eq3A_358 : vector<128x1xi32>
    %slice3A_360 = vector.extract_strided_slice %slice3A_348 {offsets = [0, 256], sizes = [128, 128], strides = [1, 1]} : vector<128x384xf32> to vector<128x128xf32>
    %jit3A_361 = arith.constant 0.000000e+00 : f32
    %broadcast_in_dim3A_362 = vector.shape_cast %eq3A_359 : vector<128x1xi1> to vector<128x1xi1>
    %broadcast_in_dim3A_363 = vector.broadcast %broadcast_in_dim3A_362 : vector<128x1xi1> to vector<128x128xi1>
    %broadcast_in_dim3A_364 = vector.broadcast %jit3A_361 : f32 to vector<128x128xf32>
    %select_n3A_365 = arith.select %broadcast_in_dim3A_363, %slice3A_360, %broadcast_in_dim3A_364 : vector<128x128xi1>, vector<128x128xf32>
    %broadcast_in_dim3A_366 = vector.shape_cast %eq3A_355 : vector<128x1xi1> to vector<128x1xi1>
    %broadcast_in_dim3A_367 = vector.broadcast %broadcast_in_dim3A_366 : vector<128x1xi1> to vector<128x128xi1>
    %select_n3A_368 = arith.select %broadcast_in_dim3A_367, %slice3A_356, %select_n3A_365 : vector<128x128xi1>, vector<128x128xf32>
    %broadcast_in_dim3A_369 = vector.shape_cast %eq3A_351 : vector<128x1xi1> to vector<128x1xi1>
    %broadcast_in_dim3A_370 = vector.broadcast %broadcast_in_dim3A_369 : vector<128x1xi1> to vector<128x128xi1>
    %select_n3A_371 = arith.select %broadcast_in_dim3A_370, %slice3A_352, %select_n3A_368 : vector<128x128xi1>, vector<128x128xf32>
    %swap3A_372 = arith.constant 1536 : index
    %swap3A_373 = arith.constant 0 : index
    %swap3A_374 = vector.load %arg7[%swap3A_372, %swap3A_373] : memref<2048x128xf32, #tpu.memory_space<vmem>>, vector<128x128xf32>
    tpu.vector_store %arg7[%swap3A_372, %swap3A_373], %select_n3A_371 {strides = array<i32>} : memref<2048x128xf32, #tpu.memory_space<vmem>>, vector<128x128xf32>,
    %slice3A_375 = vector.extract_strided_slice %transpose3A {offsets = [0, 13], sizes = [128, 1], strides = [1, 1]} : vector<128x16xi32> to vector<128x1xi32>
    %slice3A_376 = vector.extract_strided_slice %add3A_12 {offsets = [1664, 0], sizes = [128, 384], strides = [1, 1]} : vector<2048x384xf32> to vector<128x384xf32>
    %eq3A_377 = arith.constant 0 : i32
    %eq3A_378 = vector.broadcast %eq3A_377 : i32 to vector<128x1xi32>
    %eq3A_379 = arith.cmpi eq, %slice3A_375, %eq3A_378 : vector<128x1xi32>
    %slice3A_380 = vector.extract_strided_slice %slice3A_376 {offsets = [0, 0], sizes = [128, 128], strides = [1, 1]} : vector<128x384xf32> to vector<128x128xf32>
    %eq3A_381 = arith.constant 1 : i32
    %eq3A_382 = vector.broadcast %eq3A_381 : i32 to vector<128x1xi32>
    %eq3A_383 = arith.cmpi eq, %slice3A_375, %eq3A_382 : vector<128x1xi32>
    %slice3A_384 = vector.extract_strided_slice %slice3A_376 {offsets = [0, 128], sizes = [128, 128], strides = [1, 1]} : vector<128x384xf32> to vector<128x128xf32>
    %eq3A_385 = arith.constant 2 : i32
    %eq3A_386 = vector.broadcast %eq3A_385 : i32 to vector<128x1xi32>
    %eq3A_387 = arith.cmpi eq, %slice3A_375, %eq3A_386 : vector<128x1xi32>
    %slice3A_388 = vector.extract_strided_slice %slice3A_376 {offsets = [0, 256], sizes = [128, 128], strides = [1, 1]} : vector<128x384xf32> to vector<128x128xf32>
    %jit3A_389 = arith.constant 0.000000e+00 : f32
    %broadcast_in_dim3A_390 = vector.shape_cast %eq3A_387 : vector<128x1xi1> to vector<128x1xi1>
    %broadcast_in_dim3A_391 = vector.broadcast %broadcast_in_dim3A_390 : vector<128x1xi1> to vector<128x128xi1>
    %broadcast_in_dim3A_392 = vector.broadcast %jit3A_389 : f32 to vector<128x128xf32>
    %select_n3A_393 = arith.select %broadcast_in_dim3A_391, %slice3A_388, %broadcast_in_dim3A_392 : vector<128x128xi1>, vector<128x128xf32>
    %broadcast_in_dim3A_394 = vector.shape_cast %eq3A_383 : vector<128x1xi1> to vector<128x1xi1>
    %broadcast_in_dim3A_395 = vector.broadcast %broadcast_in_dim3A_394 : vector<128x1xi1> to vector<128x128xi1>
    %select_n3A_396 = arith.select %broadcast_in_dim3A_395, %slice3A_384, %select_n3A_393 : vector<128x128xi1>, vector<128x128xf32>
    %broadcast_in_dim3A_397 = vector.shape_cast %eq3A_379 : vector<128x1xi1> to vector<128x1xi1>
    %broadcast_in_dim3A_398 = vector.broadcast %broadcast_in_dim3A_397 : vector<128x1xi1> to vector<128x128xi1>
    %select_n3A_399 = arith.select %broadcast_in_dim3A_398, %slice3A_380, %select_n3A_396 : vector<128x128xi1>, vector<128x128xf32>
    %swap3A_400 = arith.constant 1664 : index
    %swap3A_401 = arith.constant 0 : index
    %swap3A_402 = vector.load %arg7[%swap3A_400, %swap3A_401] : memref<2048x128xf32, #tpu.memory_space<vmem>>, vector<128x128xf32>
    tpu.vector_store %arg7[%swap3A_400, %swap3A_401], %select_n3A_399 {strides = array<i32>} : memref<2048x128xf32, #tpu.memory_space<vmem>>, vector<128x128xf32>,
    %slice3A_403 = vector.extract_strided_slice %transpose3A {offsets = [0, 14], sizes = [128, 1], strides = [1, 1]} : vector<128x16xi32> to vector<128x1xi32>
    %slice3A_404 = vector.extract_strided_slice %add3A_12 {offsets = [1792, 0], sizes = [128, 384], strides = [1, 1]} : vector<2048x384xf32> to vector<128x384xf32>
    %eq3A_405 = arith.constant 0 : i32
    %eq3A_406 = vector.broadcast %eq3A_405 : i32 to vector<128x1xi32>
    %eq3A_407 = arith.cmpi eq, %slice3A_403, %eq3A_406 : vector<128x1xi32>
    %slice3A_408 = vector.extract_strided_slice %slice3A_404 {offsets = [0, 0], sizes = [128, 128], strides = [1, 1]} : vector<128x384xf32> to vector<128x128xf32>
    %eq3A_409 = arith.constant 1 : i32
    %eq3A_410 = vector.broadcast %eq3A_409 : i32 to vector<128x1xi32>
    %eq3A_411 = arith.cmpi eq, %slice3A_403, %eq3A_410 : vector<128x1xi32>
    %slice3A_412 = vector.extract_strided_slice %slice3A_404 {offsets = [0, 128], sizes = [128, 128], strides = [1, 1]} : vector<128x384xf32> to vector<128x128xf32>
    %eq3A_413 = arith.constant 2 : i32
    %eq3A_414 = vector.broadcast %eq3A_413 : i32 to vector<128x1xi32>
    %eq3A_415 = arith.cmpi eq, %slice3A_403, %eq3A_414 : vector<128x1xi32>
    %slice3A_416 = vector.extract_strided_slice %slice3A_404 {offsets = [0, 256], sizes = [128, 128], strides = [1, 1]} : vector<128x384xf32> to vector<128x128xf32>
    %jit3A_417 = arith.constant 0.000000e+00 : f32
    %broadcast_in_dim3A_418 = vector.shape_cast %eq3A_415 : vector<128x1xi1> to vector<128x1xi1>
    %broadcast_in_dim3A_419 = vector.broadcast %broadcast_in_dim3A_418 : vector<128x1xi1> to vector<128x128xi1>
    %broadcast_in_dim3A_420 = vector.broadcast %jit3A_417 : f32 to vector<128x128xf32>
    %select_n3A_421 = arith.select %broadcast_in_dim3A_419, %slice3A_416, %broadcast_in_dim3A_420 : vector<128x128xi1>, vector<128x128xf32>
    %broadcast_in_dim3A_422 = vector.shape_cast %eq3A_411 : vector<128x1xi1> to vector<128x1xi1>
    %broadcast_in_dim3A_423 = vector.broadcast %broadcast_in_dim3A_422 : vector<128x1xi1> to vector<128x128xi1>
    %select_n3A_424 = arith.select %broadcast_in_dim3A_423, %slice3A_412, %select_n3A_421 : vector<128x128xi1>, vector<128x128xf32>
    %broadcast_in_dim3A_425 = vector.shape_cast %eq3A_407 : vector<128x1xi1> to vector<128x1xi1>
    %broadcast_in_dim3A_426 = vector.broadcast %broadcast_in_dim3A_425 : vector<128x1xi1> to vector<128x128xi1>
    %select_n3A_427 = arith.select %broadcast_in_dim3A_426, %slice3A_408, %select_n3A_424 : vector<128x128xi1>, vector<128x128xf32>
    %swap3A_428 = arith.constant 1792 : index
    %swap3A_429 = arith.constant 0 : index
    %swap3A_430 = vector.load %arg7[%swap3A_428, %swap3A_429] : memref<2048x128xf32, #tpu.memory_space<vmem>>, vector<128x128xf32>
    tpu.vector_store %arg7[%swap3A_428, %swap3A_429], %select_n3A_427 {strides = array<i32>} : memref<2048x128xf32, #tpu.memory_space<vmem>>, vector<128x128xf32>,
    %slice3A_431 = vector.extract_strided_slice %transpose3A {offsets = [0, 15], sizes = [128, 1], strides = [1, 1]} : vector<128x16xi32> to vector<128x1xi32>
    %slice3A_432 = vector.extract_strided_slice %add3A_12 {offsets = [1920, 0], sizes = [128, 384], strides = [1, 1]} : vector<2048x384xf32> to vector<128x384xf32>
    %eq3A_433 = arith.constant 0 : i32
    %eq3A_434 = vector.broadcast %eq3A_433 : i32 to vector<128x1xi32>
    %eq3A_435 = arith.cmpi eq, %slice3A_431, %eq3A_434 : vector<128x1xi32>
    %slice3A_436 = vector.extract_strided_slice %slice3A_432 {offsets = [0, 0], sizes = [128, 128], strides = [1, 1]} : vector<128x384xf32> to vector<128x128xf32>
    %eq3A_437 = arith.constant 1 : i32
    %eq3A_438 = vector.broadcast %eq3A_437 : i32 to vector<128x1xi32>
    %eq3A_439 = arith.cmpi eq, %slice3A_431, %eq3A_438 : vector<128x1xi32>
    %slice3A_440 = vector.extract_strided_slice %slice3A_432 {offsets = [0, 128], sizes = [128, 128], strides = [1, 1]} : vector<128x384xf32> to vector<128x128xf32>
    %eq3A_441 = arith.constant 2 : i32
    %eq3A_442 = vector.broadcast %eq3A_441 : i32 to vector<128x1xi32>
    %eq3A_443 = arith.cmpi eq, %slice3A_431, %eq3A_442 : vector<128x1xi32>
    %slice3A_444 = vector.extract_strided_slice %slice3A_432 {offsets = [0, 256], sizes = [128, 128], strides = [1, 1]} : vector<128x384xf32> to vector<128x128xf32>
    %jit3A_445 = arith.constant 0.000000e+00 : f32
    %broadcast_in_dim3A_446 = vector.shape_cast %eq3A_443 : vector<128x1xi1> to vector<128x1xi1>
    %broadcast_in_dim3A_447 = vector.broadcast %broadcast_in_dim3A_446 : vector<128x1xi1> to vector<128x128xi1>
    %broadcast_in_dim3A_448 = vector.broadcast %jit3A_445 : f32 to vector<128x128xf32>
    %select_n3A_449 = arith.select %broadcast_in_dim3A_447, %slice3A_444, %broadcast_in_dim3A_448 : vector<128x128xi1>, vector<128x128xf32>
    %broadcast_in_dim3A_450 = vector.shape_cast %eq3A_439 : vector<128x1xi1> to vector<128x1xi1>
    %broadcast_in_dim3A_451 = vector.broadcast %broadcast_in_dim3A_450 : vector<128x1xi1> to vector<128x128xi1>
    %select_n3A_452 = arith.select %broadcast_in_dim3A_451, %slice3A_440, %select_n3A_449 : vector<128x128xi1>, vector<128x128xf32>
    %broadcast_in_dim3A_453 = vector.shape_cast %eq3A_435 : vector<128x1xi1> to vector<128x1xi1>
    %broadcast_in_dim3A_454 = vector.broadcast %broadcast_in_dim3A_453 : vector<128x1xi1> to vector<128x128xi1>
    %select_n3A_455 = arith.select %broadcast_in_dim3A_454, %slice3A_436, %select_n3A_452 : vector<128x128xi1>, vector<128x128xf32>
    %swap3A_456 = arith.constant 1920 : index
    %swap3A_457 = arith.constant 0 : index
    %swap3A_458 = vector.load %arg7[%swap3A_456, %swap3A_457] : memref<2048x128xf32, #tpu.memory_space<vmem>>, vector<128x128xf32>
    tpu.vector_store %arg7[%swap3A_456, %swap3A_457], %select_n3A_455 {strides = array<i32>} : memref<2048x128xf32, #tpu.memory_space<vmem>>, vector<128x128xf32>,
    return
  }
  func.func @transform_0(%arg0: i32) -> (i32, i32) {
    %c0_i32 = arith.constant 0 : i32
    %c0_i32_0 = arith.constant 0 : i32
    return %arg0, %c0_i32 : i32, i32
  }
  func.func @transform_1(%arg0: i32) -> (i32, i32) {
    %c0_i32 = arith.constant 0 : i32
    %c0_i32_0 = arith.constant 0 : i32
    return %arg0, %c0_i32 : i32, i32
  }
  func.func @transform_2(%arg0: i32) -> (i32, i32) {
    %c0_i32 = arith.constant 0 : i32
    %c0_i32_0 = arith.constant 0 : i32
    %c0_i32_1 = arith.constant 0 : i32
    return %c0_i32, %c0_i32_0 : i32, i32
  }
  func.func @transform_3(%arg0: i32) -> (i32, i32) {
    %c0_i32 = arith.constant 0 : i32
    %c0_i32_0 = arith.constant 0 : i32
    %c0_i32_1 = arith.constant 0 : i32
    return %c0_i32, %c0_i32_0 : i32, i32
  }
  func.func @transform_4(%arg0: i32) -> (i32, i32) {
    %c0_i32 = arith.constant 0 : i32
    %c0_i32_0 = arith.constant 0 : i32
    %c0_i32_1 = arith.constant 0 : i32
    return %c0_i32, %c0_i32_0 : i32, i32
  }
  func.func @transform_5(%arg0: i32) -> (i32, i32) {
    %c0_i32 = arith.constant 0 : i32
    %c0_i32_0 = arith.constant 0 : i32
    %c0_i32_1 = arith.constant 0 : i32
    return %c0_i32, %c0_i32_0 : i32, i32
  }
  func.func @transform_6(%arg0: i32) -> (i32, i32) {
    %c0_i32 = arith.constant 0 : i32
    %c0_i32_0 = arith.constant 0 : i32
    return %arg0, %c0_i32 : i32, i32
  }
}

</mosaic_0001>

<sc_bundles>
// kernel: kernel.4.cloned.1.call-start
scs
__scs_entry_jumppad:
0x0: {  	(pc) =	sbr.rel $0x88, $3  }
0x1: {  	(tag) =	ssettag $0x0;
	lr =	simm.s32 $0x1  }
0x2: {  	[smem:$0x3F97] =	sst lr;
	_ =	strace $0xD0000000  }
0x3: {  	_ = 	snop  }
0x4: {  	_ = 	snop  }
0x5: {  	_ = 	snop  }
0x6: {  	_ = 	snop  }
0x7: {  	_ = 	snop  }
__scs_overlays_trampoline_lowered:
0x8: {  	[smem:$0x3FA6] =	sst s0  }
0x9: {  	[smem:$0x3FA7] =	sst s1  }
0xa: {  	[smem:$0x3FA8] =	sst s2  }
0xb: {  	[smem:$0x3FA9] =	sst s3  }
0xc: {  	[smem:$0x3FAA] =	sst s4  }
0xd: {  	[smem:$0x3FAB] =	sst s5  }
0xe: {  	[smem:$0x3FAC] =	sst s6  }
0xf: {  	[smem:$0x3FAD] =	sst s7  }
0x10: {  	[smem:$0x3FAE] =	sst s8  }
0x11: {  	[smem:$0x3FAF] =	sst s9;
	s0 =	simm.s32 @!p0 $0x0  }
0x12: {  	s1 =	sld [smem:$0x3F95];
	s0 =	simm.s32 @p0 $0x1  }
0x13: {  	[smem:$0x3FB0] =	sst s0;
	s0 =	simm.s32 @!p1 $0x0  }
0x14: {  	s2 =	sld [smem:$0x3F94];
	s0 =	simm.s32 @p1 $0x1  }
0x15: {  	[smem:$0x3FB1] =	sst s0;
	s0 =	simm.s32 @!p2 $0x0  }
0x16: {  	s3 =	sld [smem:$0x3FDB];
	s0 =	simm.s32 @p2 $0x1  }
0x17: {  	s4 =	simm.s32 $0x1BF5;
	[smem:$0x3FB3] =	sst s0  }
0x18: {  	s0 =	sld [smem:$0x3F96];
	_ =	swait.ge [sflag:s4], $0x0  }
0x19: {  	s7 =	sld [smem:$0x3F97]  }
0x1a: {  	s8 =	sadd.s32 $0xFFFFE003, lr  }
0x1b: {  	s9 =	sadd.s32 $0xFFFFFEF7, lr;
	s5 =	simm.s32 $0xFFFFFFFF;
	p2 =	slt.u32 s8, $0xFFFFF086  }
0x1c: {  	p1 =	slt.u32 s9, $0xF7A;
	s5 =	simm.s32 @!p2 $0x0  }
0x1d: {  	s5 =	simm.s32 @p1 $0x1;
	p0 =	seq.s32 s7, s2  }
0x1e: {  	s7 =	smul.u32 @!p0 $0xF7A, s2;
	p2 =	seq.s32 @!p0 s5, $0x0  }
0x1f: {  	s9 =	smul.u32 $0xF7A, s1;
	s8 =	simm.s32 @!p0 $0x1BF5;
	p2 =	por !p2, p0  }
0x20: {  	[sflag:s8] =	ssyncset.s32 @!p0 $0xFFFFF086;
	s6 =	sadd.s32 @!p0 s3, s7;
	s7 =	simm.s32 @!p0 $0x108  }
0x21: {  	s3 =	sadd.s32 s3, s9;
	s6 =	sadd.s32 @!p0 $0x88, s6;
	s7 =	simm.s32 @p2 $0x1082  }
0x22: {  	[simem:s7], [sflag:s8] =	dma.local @!p0 [hbm:s6], $0xF7A  }
0x23: {  	s9 =	sor.u32 $0xD0000000, s2;
	s6 =	simm.s32 $0x108;
	_ =	swait.ge @!p0 [sflag:s8], $0x0  }
0x24: {  	s3 =	sadd.s32 $0x88, s3;
	s6 =	simm.s32 @!p1 $0x1082;
	[sflag:s4] =	ssyncset.s32 $0xFFFFF086  }
0x25: {  	[simem:s6], [sflag:s4] =	dma.local [hbm:s3], $0xF7A  }
0x26: {  	[smem:$0x3F97] =	sst s1;
	(tag) =	ssettag s2;
	_ =	strace s9  }
0x27: {  	s1 =	sld [smem:$0x3FA7]  }
0x28: {  	s2 =	sld [smem:$0x3FA8]  }
0x29: {  	s4 =	sld [smem:$0x3FAA]  }
0x2a: {  	p0 =	seq.s32 s5, $0x0;
	s5 =	sld [smem:$0x3FAB]  }
0x2b: {  	s6 =	sld [smem:$0x3FAC]  }
0x2c: {  	s7 =	sld [smem:$0x3FAD]  }
0x2d: {  	s3 =	simm.s32 $0x108;
	s8 =	sld [smem:$0x3FAE]  }
0x2e: {  	s3 =	simm.s32 @!p0 $0x1082;
	s9 =	sld [smem:$0x3FAF]  }
0x2f: {  	lr =	sadd.s32 s0, s3;
	s0 =	sld [smem:$0x3FA6]  }
0x30: {  	s3 =	sld [smem:$0x3FA9]  }
0x31: {  	[smem:$0x3FB2] =	sst s10  }
0x32: {  	s10 =	sld [smem:$0x3FB0];
	_ =	sdelay $0x3  }
0x33: {  	p0 =	seq.s32 s10, $0x1;
	s10 =	sld [smem:$0x3FB2];
	_ =	sdelay $0x3  }
0x34: {  	[smem:$0x3FB2] =	sst s10  }
0x35: {  	s10 =	sld [smem:$0x3FB1];
	_ =	sdelay $0x3  }
0x36: {  	p1 =	seq.s32 s10, $0x1;
	s10 =	sld [smem:$0x3FB2];
	_ =	sdelay $0x3  }
0x37: {  	[smem:$0x3FB2] =	sst s10  }
0x38: {  	s10 =	sld [smem:$0x3FB3]  }
0x39: {  	_ = 	snop;
	(pc) =	sbr.ind lr, $3  }
0x3a: {  	_ = 	snop  }
0x3b: {  	_ = 	snop  }
0x3c: {  	p2 =	seq.s32 s10, $0x1;
	s10 =	sld [smem:$0x3FB2]  }
0x3d: {  	_ =	shalt  }
0x3e: {  	_ =	shalt  }
0x3f: {  	_ =	shalt  }
0x40: {  	_ =	shalt  }
0x41: {  	_ =	shalt  }
0x42: {  	_ =	shalt  }
0x43: {  	_ =	shalt  }
0x44: {  	_ =	shalt  }
0x45: {  	_ =	shalt  }
0x46: {  	_ =	shalt  }
0x47: {  	_ =	shalt  }
0x48: {  	_ =	shalt  }
0x49: {  	_ =	shalt  }
0x4a: {  	_ =	shalt  }
0x4b: {  	_ =	shalt  }
0x4c: {  	_ =	shalt  }
0x4d: {  	_ =	shalt  }
0x4e: {  	_ =	shalt  }
0x4f: {  	_ =	shalt  }
0x50: {  	_ =	shalt  }
0x51: {  	_ =	shalt  }
0x52: {  	_ =	shalt  }
0x53: {  	_ =	shalt  }
0x54: {  	_ =	shalt  }
0x55: {  	_ =	shalt  }
0x56: {  	_ =	shalt  }
0x57: {  	_ =	shalt  }
0x58: {  	_ =	shalt  }
0x59: {  	_ =	shalt  }
0x5a: {  	_ =	shalt  }
0x5b: {  	_ =	shalt  }
0x5c: {  	_ =	shalt  }
0x5d: {  	_ =	shalt  }
0x5e: {  	_ =	shalt  }
0x5f: {  	_ =	shalt  }
0x60: {  	_ =	shalt  }
0x61: {  	_ =	shalt  }
0x62: {  	_ =	shalt  }
0x63: {  	_ =	shalt  }
0x64: {  	_ =	shalt  }
0x65: {  	_ =	shalt  }
0x66: {  	_ =	shalt  }
0x67: {  	_ =	shalt  }
0x68: {  	_ =	shalt  }
0x69: {  	_ =	shalt  }
0x6a: {  	_ =	shalt  }
0x6b: {  	_ =	shalt  }
0x6c: {  	_ =	shalt  }
0x6d: {  	_ =	shalt  }
0x6e: {  	_ =	shalt  }
0x6f: {  	_ =	shalt  }
0x70: {  	_ =	shalt  }
0x71: {  	_ =	shalt  }
0x72: {  	_ =	shalt  }
0x73: {  	_ =	shalt  }
0x74: {  	_ =	shalt  }
0x75: {  	_ =	shalt  }
0x76: {  	_ =	shalt  }
0x77: {  	_ =	shalt  }
0x78: {  	_ =	shalt  }
0x79: {  	_ =	shalt  }
0x7a: {  	_ =	shalt  }
0x7b: {  	_ =	shalt  }
0x7c: {  	_ =	shalt  }
0x7d: {  	_ =	shalt  }
0x7e: {  	_ =	shalt  }
0x7f: {  	_ =	shalt  }
0x80: {  	_ =	shalt  }
0x81: {  	_ =	shalt  }
0x82: {  	_ =	shalt  }
0x83: {  	_ =	shalt  }
0x84: {  	_ =	shalt  }
0x85: {  	_ =	shalt  }
0x86: {  	_ =	shalt  }
0x87: {  	_ =	shalt  }
.Lfunc_end0:
.L_simem_size_0:
called_computation_lowered:
.L_overlay_start_0:
0x88: {  	s2 =	sld [smem:$0x3FD9]  }
0x89: {  	s3 =	sld [smem:$0x3FFE];
	_ =	sdelay $0x1  }
0x8a: {  	s1 =	srdreg.scid  }
0x8b: {  	s0 =	sand.u32 $0x1, s1  }
0x8c: {  	s17 =	sshll.u32 s0, $0xA;
	s2 =	sadd.s32 s3, s2  }
0x8d: {  	s2 =	sadd.s32 s2, s17  }
0x8e: {  	[smem:$0x3FBE] =	sst s2  }
0x8f: {  	_ = 	snop  }
0x90: {  	s2 =	sld [smem:$0x3FD0];
	(tm) =	ssettm $0x1  }
0x91: {  	s18 =	sld [smem:$0x3FFB];
	_ =	sdelay $0x3  }
0x92: {  	_ =	strace s18  }
0x93: {  	s3 =	sld [smem:$0x3FFC];
	_ =	sdelay $0x3  }
0x94: {  	_ =	strace s3  }
0x95: {  	s3 =	sld [smem:$0x3FFD];
	_ =	sdelay $0x3  }
0x96: {  	_ =	strace s3  }
0x97: {  	_ =	strace $0x8FFFFFFF  }
0x98: {  	s19 =	sld [smem:$0x3FDB];
	_ =	sdelay $0x1  }
0x99: {  	s4 =	simm.s32 $_scs_section_size  }
0x9a: {  	s5 =	simm.s32 $_size__tile_overlayer_lowered;
	s6 =	simm.s32 $_tile_overlayer_lowered  }
0x9b: {  	s22 =	simm.s32 $0x1BFF;
	s21 =	sshll.u32 s6, $0x1;
	s3 =	sadd.s32 s4, s19  }
0x9c: {  	s7 =	simm.s32 $0x0;
	s20 =	sshll.u32 s5, $0x1;
	s5 =	sadd.s32 s21, s3  }
0x9d: {  	[timem:s7], [sflag:s22] =	dma.local [hbm:s5], s20  }
0x9e: {  	_ =	swait.ge [sflag:s22], s20  }
0x9f: {  	s4 =	ssub.s32 $0x0, s20;
	[sflag:s22] =	ssyncset.done $0x0  }
0xa0: {  	[sflag:s22] =	ssyncadd.s32 s4;
	_ =	sdelay $0x1  }
0xa1: {  	s23 =	simm.s32 $0x1B8B  }
0xa2: {  	_ =	swait.ge [sflag:s23], $0x1  }
0xa3: {  	[sflag:s23] =	ssyncset.done $0x0  }
0xa4: {  	s25 =	simm.s32 $0x1B8E;
	s24 =	sld [smem:$0x3FFE];
	[sflag:s23] =	ssyncadd.s32 $0xFFFFFFFF  }
0xa5: {  	s26 =	simm.s32 $execute0_lowered;
	[smem:$0x3FD2] =	sst s25  }
0xa6: {  	s5 =	sshll.u32 s26, $0x1;
	_ =	strace $0x80000046;
	[dreg:$0x1] =	wrdreg $0xFFFFFFFF  }
0xa7: {  	s28 =	simm.s32 $_size_execute0_lowered;
	s3 =	sadd.s32 s3, s5;
	[dreg:$0x0] =	wrdreg $0x0  }
0xa8: {  	s5 =	sshll.u32 s28, $0x1;
	[dreg:$0x2] =	wrdreg s3  }
0xa9: {  	[dreg:$0x3] =	wrdreg s5  }
0xaa: {  	[dreg:$0x4] =	wrdreg $0xC0  }
0xab: {  	_ =	task [dreg:s7], $0x5FFFF  }
0xac: {  	[dreg:$0x1] =	wrdreg $0xFFFFFFFF  }
0xad: {  	[dreg:$0x0] =	wrdreg $0x60  }
0xae: {  	[dreg:$0x2] =	wrdreg s24  }
0xaf: {  	[dreg:$0x3] =	wrdreg s2  }
0xb0: {  	[dreg:$0x4] =	wrdreg $0x49800  }
0xb1: {  	[dreg:$0x5] =	wrdreg $0x9  }
0xb2: {  	_ =	task.clear_ibuf [dreg:s7], $0x6FFFF;
	_ =	strace $0x90000046  }
0xb3: {  	s29 =	simm.s32 $0x9;
	_ =	strace $0x80000048  }
0xb4: {  	_ =	swait.ge [sflag:s29], $0x1  }
0xb5: {  	[sflag:s29] =	ssyncadd.s32 $0xFFFFFFFF  }
0xb6: {  	_ =	strace $0x90000048  }
0xb7: {  	_ =	sfence  }
0xb8: {  	s30 =	sld [smem:$0x0];
	_ =	sdelay $0x2  }
0xb9: {  	s31 =	sshll.u32 s1, $0xD;
	s1 =	sshrl.u32 s1, $0x2  }
0xba: {  	s3 =	sand.u32 $0x4000, s31;
	s1 =	sadd.s32 s1, s30  }
0xbb: {  	s0 =	sor.u32 s3, s0;
	s1 =	sshll.u32 s1, $0x11  }
0xbc: {  	s0 =	sor.u32 s1, s0  }
0xbd: {  	s0 =	sadd.s32 $0x8F2B, s0  }
0xbe: {  	[sflag:s0] =	ssyncadd.remote.s32 $0x1  }
0xbf: {  	_ =	sfence.sel $0xFFFF  }
0xc0: {  	[dreg:$0x0] =	wrdreg $0xFFFFFFFF;
	(pc) =	sbr.abs _section_cstart, $3  }
0xc1: {  	[dreg:$0x1] =	wrdreg $0xFFFFFFFF  }
0xc2: {  	_ =	task.clear_ibuf [dreg:s7], $0x2FFFF;
	_ =	strace $0x9FFFFFFF  }
0xc3: {  	(tm) =	ssettm $0x7FFFFFFF  }
tec
execute0_lowered:
.L_overlay_start_1:
0x0: {  	(tag) =	ssettag $0x1  }
0x1: {  	s8 =	rddreg [dreg:$0x0]  }
0x2: {  	s13 =	rddreg [dreg:$0x1]  }
0x3: {  	s2 =	rddreg [dreg:$0x2]  }
0x4: {  	s0 =	rddreg [dreg:$0x3];
	s3 =	simm.s32 $0x0;
	s1 =	stileid.u32  }
0x5: {  	s6 =	simm.s32 $0x3100;
	s5 =	simm.s32 $0x1;
	[smem:$0x7FF] =	sst s3  }
0x6: {  	s4 =	sadd.s32 $0x7000, s8;
	s7 =	smul.u32 $0x6200, s1;
	_ =	strace $0x80000047  }
0x7: {  	[tilespmem:s6], [sflag:$0x1] =	stream.linear.gather [hbm4b:s4+s3], $0x1880, $0x38;
	[tilespmem:$0x6200] =	vst v63  }
0x8: {  	_ =	swait.ge [sflag:s5], $0x1880  }
0x9: {  	s7 =	sshrl.u32 s7, $0x2;
	[sflag:s5] =	ssyncset.done $0x0  }
0xa: {  	s7 =	sadd.s32 s7, s2;
	[sflag:s5] =	ssyncadd.s32 $0xFFFFE780  }
0xb: {  	[spmem:s7] =	stream.linear.scatter [tilespmem:s6], [sflag:$0x1], $0x1880, $0x38;
	[tilespmem:$0x6200] =	vst v63  }
0xc: {  	s9 =	smul.u32 $0x306, s1;
	_ =	swait.ge [sflag:s5], $0x1880  }
0xd: {  	[sflag:s5] =	ssyncset.done $0x0  }
0xe: {  	s9 =	sadd.s32 s9, s8;
	[sflag:s5] =	ssyncadd.s32 $0xFFFFE780  }
0xf: {  	s8 =	sadd.s32 $0x3E00, s9;
	[bflag:$0x0] =	sbarrier.arrive $0xFFFF  }
0x10: {  	[tilespmem:s3], [sflag:$0x1] =	stream.linear.gather [hbm4b:s8+s3], $0x1830, $0x38;
	[tilespmem:$0x6200] =	vst v63  }
0x11: {  	_ =	swait.ge [sflag:s5], $0x1830  }
0x12: {  	[sflag:s5] =	ssyncset.done $0x0  }
0x13: {  	s10 =	simm.s32 $0x1880;
	s9 =	sadd.s32 $0xC00, s9;
	[sflag:s5] =	ssyncadd.s32 $0xFFFFE7D0  }
0x14: {  	[tilespmem:s10], [sflag:$0x1] =	stream.linear.gather [hbm4b:s9+s3], $0x1830, $0x38;
	[tilespmem:$0x6200] =	vst v63  }
0x15: {  	s11 =	srdreg.scid;
	_ =	swait.ge [sflag:s5], $0x1830  }
0x16: {  	s12 =	sand.u32 $0x1, s11;
	[sflag:s5] =	ssyncset.done $0x0  }
0x17: {  	s11 =	simm.s32 $0x1830;
	s15 =	smul.u32 $0xC40, s1;
	[sflag:s5] =	ssyncadd.s32 $0xFFFFE7D0  }
0x18: {  	[spmem:s2] =	stream.indirect.scatter [tilespmem:s10], [sflag:$0x1], $0x1, s3, s11, $0xb8;
	[tilespmem:$0x6200] =	vst v63  }
0x19: {  	s14 =	smul.u32 $0xC400, s12;
	s30 =	ssub.s32 $0x2, s12;
	_ =	swait.ge [sflag:s5], $0x1830  }
0x1a: {  	s16 =	sshrl.u32 s30, $0x1;
	[sflag:s5] =	ssyncset.done $0x0  }
0x1b: {  	s14 =	sadd.s32 s15, s14;
	s15 =	ssub.s32 s30, s16;
	[sflag:s5] =	ssyncadd.s32 $0xFFFFE7D0  }
0x1c: {  	s12 =	sadd.s32 s14, s2;
	s31 =	smax.u32 s15, $0x1;
	[bflag:$0x0] =	sbarrier.arrive $0xFFFF  }
0x1d: {  	[tilespmem:s6], [sflag:$0x1] =	stream.linear.gather [spmem:s12], $0xC40, $0x38;
	[tilespmem:$0x6200] =	vst v63  }
0x1e: {  	p0 =	sne.s32 s31, $0x1;
	_ =	swait.ge [sflag:s5], $0xC40  }
.Ltmp0:
0x1f: {  	s14 =	sshrl.u32 s14, $0x3;
	[sflag:s5] =	ssyncset.done $0x0;
	(pc) =	sbr.rel @!p0 .LBB2_2-.Ltmp0, $4  }
0x20: {  	s13 =	sadd.s32 s13, s14;
	[sflag:s5] =	ssyncadd.s32 $0xFFFFF3C0  }
0x21: {  	[hbm4b:s13+s3] =	stream.linear.scatter [tilespmem:s6], [sflag:$0x1], $0xC40, $0x38;
	[tilespmem:$0x6200] =	vst v63  }
0x22: {  	_ =	swait.ge [sflag:s5], $0xC40  }
0x23: {  	s14 =	sadd.s32 $0xFFFFFFFF, s31;
	[sflag:s5] =	ssyncset.done $0x0  }
.LBB2_1:
0x24: {  	p0 =	sne.s32 s14, $0x1;
	s14 =	sadd.s32 $0xFFFFFFFF, s14;
	[sflag:s5] =	ssyncadd.s32 $0xFFFFF3C0  }
0x25: {  	[tilespmem:s6], [sflag:$0x1] =	stream.linear.gather [hbm4b:s4+s3], $0x1880, $0x38;
	[tilespmem:$0x6200] =	vst v63  }
0x26: {  	_ =	swait.ge [sflag:s5], $0x1880  }
0x27: {  	[sflag:s5] =	ssyncset.done $0x0  }
0x28: {  	[sflag:s5] =	ssyncadd.s32 $0xFFFFE780  }
0x29: {  	[spmem:s7] =	stream.linear.scatter [tilespmem:s6], [sflag:$0x1], $0x1880, $0x38;
	[tilespmem:$0x6200] =	vst v63  }
0x2a: {  	_ =	swait.ge [sflag:s5], $0x1880  }
0x2b: {  	[sflag:s5] =	ssyncset.done $0x0  }
0x2c: {  	[sflag:s5] =	ssyncadd.s32 $0xFFFFE780  }
0x2d: {  	[bflag:$0x0] =	sbarrier.arrive $0xFFFF  }
0x2e: {  	[tilespmem:s3], [sflag:$0x1] =	stream.linear.gather [hbm4b:s8+s3], $0x1830, $0x38;
	[tilespmem:$0x6200] =	vst v63  }
0x2f: {  	_ =	swait.ge [sflag:s5], $0x1830  }
0x30: {  	[sflag:s5] =	ssyncset.done $0x0  }
0x31: {  	[sflag:s5] =	ssyncadd.s32 $0xFFFFE7D0  }
0x32: {  	[tilespmem:s10], [sflag:$0x1] =	stream.linear.gather [hbm4b:s9+s3], $0x1830, $0x38;
	[tilespmem:$0x6200] =	vst v63  }
0x33: {  	_ =	swait.ge [sflag:s5], $0x1830  }
0x34: {  	[sflag:s5] =	ssyncset.done $0x0  }
0x35: {  	[sflag:s5] =	ssyncadd.s32 $0xFFFFE7D0  }
0x36: {  	[spmem:s2] =	stream.indirect.scatter [tilespmem:s10], [sflag:$0x1], $0x1, s3, s11, $0xb8;
	[tilespmem:$0x6200] =	vst v63  }
0x37: {  	_ =	swait.ge [sflag:s5], $0x1830  }
0x38: {  	[sflag:s5] =	ssyncset.done $0x0  }
0x39: {  	[sflag:s5] =	ssyncadd.s32 $0xFFFFE7D0  }
0x3a: {  	[bflag:$0x0] =	sbarrier.arrive $0xFFFF  }
0x3b: {  	[tilespmem:s6], [sflag:$0x1] =	stream.linear.gather [spmem:s12], $0xC40, $0x38;
	[tilespmem:$0x6200] =	vst v63  }
0x3c: {  	_ =	swait.ge [sflag:s5], $0xC40  }
.Ltmp1:
0x3d: {  	[sflag:s5] =	ssyncset.done $0x0;
	(pc) =	sbr.rel @p0 .LBB2_1-.Ltmp1, $4  }
0x3e: {  	[sflag:s5] =	ssyncadd.s32 $0xFFFFF3C0  }
0x3f: {  	[hbm4b:s13+s3] =	stream.linear.scatter [tilespmem:s6], [sflag:$0x1], $0xC40, $0x38;
	[tilespmem:$0x6200] =	vst v63  }
0x40: {  	_ =	swait.ge [sflag:s5], $0xC40  }
0x41: {  	[sflag:s5] =	ssyncset.done $0x0  }
.LBB2_2:
0x42: {  	[sflag:s5] =	ssyncadd.s32 $0xFFFFF3C0  }
0x43: {  	_ =	sfence.sel $0x180000  }
0x44: {  	[bflag:$0x0] =	sbarrier.arrive $0xFFFF  }
0x45: {  	p0 =	sne.s32 s1, $0x0;
	_ =	strace $0x90000047  }
0x46: {  	s0 =	sadd.s32 @!p0 $0x100000, s0;
	[bflag:$0x2] =	sbarrier.arrive $0xFFFF  }
0x47: {  	[sflag:s0] =	ssyncadd.tile.s32 @!p0 $0x1;
	_ =	shalt  }
.Lfunc_end2:
_tile_overlayer_lowered:
.L_overlay_start_2:
0x48: {  	(tag) =	ssettag $0x2  }
0x49: {  	s0 =	rddreg [dreg:$0x0];
	s2 =	stileid.u32  }
0x4a: {  	s1 =	rddreg [dreg:$0x1];
	p0 =	sne.s32 s2, $0x0  }
0x4b: {  	s3 =	rddreg [dreg:$0x2];
	[bflag:$0x3] =	sbarrier.arrive $0xFFFF;
	s2 =	simm.s32 @!p0 $0x1C01  }
0x4c: {  	[timem:s3], [sflag:s2] =	dma.local @!p0 [hbm:s0], s1  }
0x4d: {  	s0 =	simm.s32 @!p0 $0x1  }
0x4e: {  	_ =	swait.ge @!p0 [sflag:s0], s1  }
0x4f: {  	s1 =	ssub.s32 @!p0 $0x0, s1;
	[sflag:s0] =	ssyncset.done @!p0 $0x0  }
0x50: {  	[sflag:s0] =	ssyncadd.s32 @!p0 s1  }
0x51: {  	[bflag:$0x3] =	sbarrier.arrive $0xFFFF  }
0x52: {  	_ =	shalt  }

</sc_bundles>
